<compile_context>
chip_gen: v7x
topology: tpu7x:2x2x1
jax: 0.10.2.dev20260603
libtpu: 0.0.44.dev20260713+nightly
codegen_flags: <defaults>
</compile_context>

<pallas_src>
import functools

import jax
import jax.numpy as jnp
from jax import lax
from jax.experimental import pallas as pl
from jax.experimental.pallas import tpu as pltpu
from jax.experimental.pallas import tpu_sc as plsc

N_NODES = 10000
N_EDGES = 320000
D = 128

NC = 2
NS = 16
NW = NC * NS
LANE = 128
KJ = 79
EP = NW * KJ * LANE
ACC = 10240
RPT = ACC // NS

@functools.cache
def _sc_mesh():
    return plsc.VectorSubcoreMesh(
        core_axis_name="c", subcore_axis_name="s",
        num_cores=NC, num_subcores=NS)



def _hist_body(dst_hbm, zeros1_hbm, out_hbm, dst_vm, ones_vm, hist_sh):
    c = lax.axis_index("c")
    s = lax.axis_index("s")
    wid = c * NS + s
    pltpu.sync_copy(zeros1_hbm, hist_sh.at[pl.ds(s * RPT, RPT)])
    pltpu.sync_copy(dst_hbm.at[wid], dst_vm)
    for k in range(LANE // 16):
        ones_vm[pl.ds(k * 16, 16)] = jnp.ones((16,), jnp.float32)
    plsc.subcore_barrier()

    def body(j, _):
        pltpu.sync_copy(ones_vm, hist_sh.at[dst_vm.at[j]], add=True)
        return ()

    lax.fori_loop(0, KJ, body, ())
    plsc.subcore_barrier()
    pltpu.sync_copy(hist_sh.at[pl.ds(s * RPT, RPT)],
                    out_hbm.at[c, pl.ds(s * RPT, RPT)])


@functools.cache
def _sc_hist():
    return pl.kernel(
        _hist_body,
        out_type=jax.ShapeDtypeStruct((NC, ACC), jnp.float32),
        mesh=_sc_mesh(),
        scratch_types=[
            pltpu.VMEM((KJ, LANE), jnp.int32),
            pltpu.VMEM((LANE,), jnp.float32),
            pltpu.VMEM_SHARED((ACC,), jnp.float32),
        ],
    )


def _agg_body(hs_hbm, src_hbm, dst_hbm, out_hbm,
              src_vm, dst_vm, rows_vm, acc_sh, sem):
    c = lax.axis_index("c")
    s = lax.axis_index("s")
    wid = c * NS + s
    d_src = pltpu.async_copy(src_hbm.at[wid], src_vm, sem)
    d_dst = pltpu.async_copy(dst_hbm.at[wid], dst_vm, sem)

    @pl.loop(0, LANE)
    def _zfill(r):
        for k in range(D // 16):
            rows_vm[r, pl.ds(k * 16, 16)] = jnp.zeros((16,), jnp.float32)

    for t in range(RPT // LANE):
        pltpu.sync_copy(rows_vm, acc_sh.at[pl.ds(s * RPT + t * LANE, LANE)])
    d_src.wait()
    d_dst.wait()
    plsc.subcore_barrier()

    def body(j, _):
        pltpu.async_copy(hs_hbm.at[src_vm.at[j]], rows_vm, sem).wait()
        pltpu.sync_copy(rows_vm, acc_sh.at[dst_vm.at[j]], add=True)
        return ()

    lax.fori_loop(0, KJ, body, ())
    plsc.subcore_barrier()
    pltpu.sync_copy(acc_sh.at[pl.ds(s * RPT, RPT)],
                    out_hbm.at[c, pl.ds(s * RPT, RPT)])


@functools.cache
def _sc_agg():
    return pl.kernel(
        _agg_body,
        out_type=jax.ShapeDtypeStruct((NC, ACC, D), jnp.float32),
        mesh=_sc_mesh(),
        scratch_types=[
            pltpu.VMEM((KJ, LANE), jnp.int32),
            pltpu.VMEM((KJ, LANE), jnp.int32),
            pltpu.VMEM((LANE, D), jnp.float32),
            pltpu.VMEM_SHARED((ACC, D), jnp.float32),
            pltpu.SemaphoreType.DMA,
        ],
    )



def _mm_scale_body(x_ref, w_ref, h0_ref, h1_ref, o_ref):
    dinv = lax.rsqrt(h0_ref[...] + h1_ref[...] + 1.0)
    o_ref[...] = jnp.dot(x_ref[...], w_ref[...],
                         preferred_element_type=jnp.float32) * dinv


def _mid_body(p0_ref, p1_ref, hs_ref, h0_ref, h1_ref, b_ref, w_ref, o_ref):
    dinv = lax.rsqrt(h0_ref[...] + h1_ref[...] + 1.0)
    t = (p0_ref[...] + p1_ref[...] + hs_ref[...]) * dinv + b_ref[...]
    t = jnp.maximum(t, 0.0)
    o_ref[...] = jnp.dot(t, w_ref[...],
                         preferred_element_type=jnp.float32) * dinv


def _final_body(q0_ref, q1_ref, hs_ref, h0_ref, h1_ref, b_ref, o_ref):
    dinv = lax.rsqrt(h0_ref[...] + h1_ref[...] + 1.0)
    z = (q0_ref[...] + q1_ref[...] + hs_ref[...]) * dinv + b_ref[...]
    m = jnp.max(z, axis=1, keepdims=True)
    lse = jnp.log(jnp.sum(jnp.exp(z - m), axis=1, keepdims=True)) + m
    o_ref[...] = z - lse


_BLK_A = ACC // 16


def _tc_mm_scale(xp, W, h0, h1):
    return pl.pallas_call(
        _mm_scale_body,
        grid=(16,),
        in_specs=[
            pl.BlockSpec((_BLK_A, D), lambda i: (i, 0)),
            pl.BlockSpec((D, D), lambda i: (0, 0)),
            pl.BlockSpec((_BLK_A, 1), lambda i: (i, 0)),
            pl.BlockSpec((_BLK_A, 1), lambda i: (i, 0)),
        ],
        out_specs=pl.BlockSpec((_BLK_A, D), lambda i: (i, 0)),
        out_shape=jax.ShapeDtypeStruct((ACC, D), jnp.float32),
    )(xp, W, h0, h1)


def _tc_mid(p0, p1, hs, h0, h1, b, W):
    return pl.pallas_call(
        _mid_body,
        grid=(16,),
        in_specs=[
            pl.BlockSpec((_BLK_A, D), lambda i: (i, 0)),
            pl.BlockSpec((_BLK_A, D), lambda i: (i, 0)),
            pl.BlockSpec((_BLK_A, D), lambda i: (i, 0)),
            pl.BlockSpec((_BLK_A, 1), lambda i: (i, 0)),
            pl.BlockSpec((_BLK_A, 1), lambda i: (i, 0)),
            pl.BlockSpec((1, D), lambda i: (0, 0)),
            pl.BlockSpec((D, D), lambda i: (0, 0)),
        ],
        out_specs=pl.BlockSpec((_BLK_A, D), lambda i: (i, 0)),
        out_shape=jax.ShapeDtypeStruct((ACC, D), jnp.float32),
    )(p0, p1, hs, h0, h1, b, W)


_BLK_C = 400


def _tc_final(q0, q1, hs, h0, h1, b):
    return pl.pallas_call(
        _final_body,
        grid=(N_NODES // _BLK_C,),
        in_specs=[
            pl.BlockSpec((_BLK_C, D), lambda i: (i, 0)),
            pl.BlockSpec((_BLK_C, D), lambda i: (i, 0)),
            pl.BlockSpec((_BLK_C, D), lambda i: (i, 0)),
            pl.BlockSpec((_BLK_C, 1), lambda i: (i, 0)),
            pl.BlockSpec((_BLK_C, 1), lambda i: (i, 0)),
            pl.BlockSpec((1, D), lambda i: (0, 0)),
        ],
        out_specs=pl.BlockSpec((_BLK_C, D), lambda i: (i, 0)),
        out_shape=jax.ShapeDtypeStruct((N_NODES, D), jnp.float32),
    )(q0, q1, hs, h0, h1, b)



def kernel(x, edge_index, W1, b1, W2, b2):
    src = edge_index[0]
    dst = edge_index[1]
    pad = EP - N_EDGES
    srcp = jnp.concatenate(
        [src, jnp.zeros((pad,), jnp.int32)]).reshape(NW, KJ, LANE)
    dstp = jnp.concatenate(
        [dst, jnp.full((pad,), N_NODES, jnp.int32)]).reshape(NW, KJ, LANE)
    xp = jnp.pad(x, ((0, ACC - N_NODES), (0, 0)))
    zeros1 = jnp.zeros((RPT,), jnp.float32)

    hist = _sc_hist()(dstp, zeros1)
    h0 = hist[0].reshape(ACC, 1)
    h1 = hist[1].reshape(ACC, 1)
    b1r = b1.reshape(1, D)
    b2r = b2.reshape(1, D)

    hs1 = _tc_mm_scale(xp, W1, h0, h1)
    p = _sc_agg()(hs1, srcp, dstp)
    hs2 = _tc_mid(p[0], p[1], hs1, h0, h1, b1r, W2)
    q = _sc_agg()(hs2, srcp, dstp)
    return _tc_final(q[0], q[1], hs2, h0, h1, b2r)

# --- scband reference (transcript-rebuilt; emitter-appended) ---
"""Pipeline reference for scband-gcn-32160715112515 (READ-ONLY COPY).

The authoritative reference and input builder live on the scoring server;
editing this copy changes nothing except your own understanding.
"""

import jax
import jax.numpy as jnp
import numpy as np

N = 10000
E = 320000
D_IN = 128
D_HID = 128
D_OUT = 128


def setup_inputs(seed: int = 0) -> dict:
    key = jax.random.key(seed)
    k1, k2, k3, k4, k5, k6 = jax.random.split(key, 6)
    x = jax.random.normal(k1, (N, D_IN), dtype=jnp.float32)
    edge_index = jax.random.randint(k2, (2, E), 0, N, dtype=jnp.int32)
    W1 = jax.random.normal(k3, (D_IN, D_HID), dtype=jnp.float32) * (1.0 / np.sqrt(D_IN))
    b1 = jnp.zeros((D_HID,), dtype=jnp.float32)
    W2 = jax.random.normal(k4, (D_HID, D_OUT), dtype=jnp.float32) * (1.0 / np.sqrt(D_HID))
    b2 = jnp.zeros((D_OUT,), dtype=jnp.float32)
    return {"x": x, "edge_index": edge_index, "W1": W1, "b1": b1, "W2": W2, "b2": b2}


def gcn_conv(x, edge_index, W, b):
    n = x.shape[0]
    src = edge_index[0]
    dst = edge_index[1]
    # add self loops (PyG GCNConv default add_self_loops=True)
    loop = jnp.arange(n, dtype=src.dtype)
    src = jnp.concatenate([src, loop], axis=0)
    dst = jnp.concatenate([dst, loop], axis=0)
    # symmetric normalization: deg^{-1/2}[src] * deg^{-1/2}[dst]
    ones = jnp.ones(src.shape[0], dtype=x.dtype)
    deg = jnp.zeros((n,), dtype=x.dtype).at[dst].add(ones)
    deg_inv_sqrt = jnp.where(deg > 0, jax.lax.rsqrt(jnp.maximum(deg, 1e-12)), 0.0)
    norm = deg_inv_sqrt[src] * deg_inv_sqrt[dst]
    # linear transform first (as in PyG GCNConv)
    h = x @ W
    # gather messages from src, scale, scatter-add into dst
    msg = h[src] * norm[:, None]
    out = jnp.zeros((n, h.shape[1]), dtype=x.dtype).at[dst].add(msg)
    return out + b


def reference(x, edge_index, W1, b1, W2, b2):
    h = gcn_conv(x, edge_index, W1, b1)
    h = jax.nn.relu(h)
    h = gcn_conv(h, edge_index, W2, b2)
    return jax.nn.log_softmax(h, axis=1)

if __name__ == "__main__":
    import jax
    _d = setup_inputs()
    print(jax.jit(kernel)(*tuple(_d.values())))

</pallas_src>

<mosaic_0001>
#map = affine_map<(d0, d1) -> (0, 0, 0)>
#map1 = affine_map<(d0, d1) -> (0)>
#map2 = affine_map<(d0, d1) -> (0, 0)>
module attributes {stable_mosaic.version = 14 : i64} {
  func.func @_hist_body(%arg0: i32, %arg1: i32, %arg2: memref<32x79x128xi32, #tpu.memory_space<hbm>>, %arg3: memref<640xf32, #tpu.memory_space<hbm>>, %arg4: memref<2x10240xf32, #tpu.memory_space<hbm>>, %arg5: memref<79x128xi32, #tpu.memory_space<vmem>>, %arg6: memref<128xf32, #tpu.memory_space<vmem>>, %arg7: memref<10240xf32, #tpu.memory_space<vmem_shared>>) attributes {dimension_semantics = [#tpu.dimension_semantics<core_parallel>, #tpu.dimension_semantics<subcore_parallel>], iteration_bounds = array<i64: 2, 16>, scalar_prefetch = 0 : i64, scratch_operands = 3 : i64, tpu.core_type = #tpu.core_type<sc_vector_subcore>, window_params = [{transform_indices = #map}, {transform_indices = #map1}, {transform_indices = #map2}]} {
    %mul3A = arith.constant 16 : i32
    %mul3A_0 = arith.muli %arg0, %mul3A : i32
    %add3A = arith.addi %mul3A_0, %arg1 : i32
    %mul3A_1 = arith.constant 640 : i32
    %mul3A_2 = arith.muli %arg1, %mul3A_1 : i32
    "tpu.region"() ({
      %run_scoped3A = tpu.sem_alloc : memref<!tpu.dma_semaphore, #tpu.memory_space<semaphore_mem>>
      %dma_start3A = tpu.memref_slice %arg7[%mul3A_2] : memref<10240xf32, #tpu.memory_space<vmem_shared>> -> memref<640xf32, #tpu.memory_space<vmem_shared>>
      tpu.enqueue_dma source(%arg3 : memref<640xf32, #tpu.memory_space<hbm>>) target(%dma_start3A : memref<640xf32, #tpu.memory_space<vmem_shared>>) target_semaphore(%run_scoped3A : memref<!tpu.dma_semaphore, #tpu.memory_space<semaphore_mem>>)
      %dma_wait3A = tpu.memref_slice %arg7[%mul3A_2] : memref<10240xf32, #tpu.memory_space<vmem_shared>> -> memref<640xf32, #tpu.memory_space<vmem_shared>>
      tpu.wait_dma2 semaphore(%run_scoped3A : memref<!tpu.dma_semaphore, #tpu.memory_space<semaphore_mem>>) src(%arg3 : memref<640xf32, #tpu.memory_space<hbm>>) dst(%dma_wait3A : memref<640xf32, #tpu.memory_space<vmem_shared>>)
      tpu.yield
    }) : () -> ()
    "tpu.region"() ({
      %run_scoped3A = tpu.sem_alloc : memref<!tpu.dma_semaphore, #tpu.memory_space<semaphore_mem>>
      %dma_start3A = arith.constant 0 : i32
      %dma_start3A_58 = arith.constant 0 : i32
      %dma_start3A_59 = tpu.memref_slice %arg2[%add3A, %dma_start3A, %dma_start3A_58] : memref<32x79x128xi32, #tpu.memory_space<hbm>> -> memref<1x79x128xi32, #tpu.memory_space<hbm>>
      %dma_start3A_60 = tpu.memref_squeeze %dma_start3A_59 : memref<1x79x128xi32, #tpu.memory_space<hbm>> -> memref<79x128xi32, #tpu.memory_space<hbm>>
      %dma_start3A_61 = arith.constant 0 : i32
      %dma_start3A_62 = arith.constant 0 : i32
      %dma_start3A_63 = tpu.memref_slice %arg2[%add3A, %dma_start3A_61, %dma_start3A_62] : memref<32x79x128xi32, #tpu.memory_space<hbm>> -> memref<1x79x128xi32, #tpu.memory_space<hbm>>
      %dma_start3A_64 = tpu.memref_squeeze %dma_start3A_63 : memref<1x79x128xi32, #tpu.memory_space<hbm>> -> memref<79x128xi32, #tpu.memory_space<hbm>>
      tpu.enqueue_dma source(%dma_start3A_64 : memref<79x128xi32, #tpu.memory_space<hbm>>) target(%arg5 : memref<79x128xi32, #tpu.memory_space<vmem>>) target_semaphore(%run_scoped3A : memref<!tpu.dma_semaphore, #tpu.memory_space<semaphore_mem>>)
      %dma_wait3A = arith.constant 0 : i32
      %dma_wait3A_65 = arith.constant 0 : i32
      %dma_wait3A_66 = tpu.memref_slice %arg2[%add3A, %dma_wait3A, %dma_wait3A_65] : memref<32x79x128xi32, #tpu.memory_space<hbm>> -> memref<1x79x128xi32, #tpu.memory_space<hbm>>
      %dma_wait3A_67 = tpu.memref_squeeze %dma_wait3A_66 : memref<1x79x128xi32, #tpu.memory_space<hbm>> -> memref<79x128xi32, #tpu.memory_space<hbm>>
      %dma_wait3A_68 = arith.constant 0 : i32
      %dma_wait3A_69 = arith.constant 0 : i32
      %dma_wait3A_70 = tpu.memref_slice %arg2[%add3A, %dma_wait3A_68, %dma_wait3A_69] : memref<32x79x128xi32, #tpu.memory_space<hbm>> -> memref<1x79x128xi32, #tpu.memory_space<hbm>>
      %dma_wait3A_71 = tpu.memref_squeeze %dma_wait3A_70 : memref<1x79x128xi32, #tpu.memory_space<hbm>> -> memref<79x128xi32, #tpu.memory_space<hbm>>
      tpu.wait_dma2 semaphore(%run_scoped3A : memref<!tpu.dma_semaphore, #tpu.memory_space<semaphore_mem>>) src(%dma_wait3A_71 : memref<79x128xi32, #tpu.memory_space<hbm>>) dst(%arg5 : memref<79x128xi32, #tpu.memory_space<vmem>>)
      tpu.yield
    }) : () -> ()
    %broadcast_in_dim3A = arith.constant 1.000000e+00 : f32
    %broadcast_in_dim3A_3 = vector.broadcast %broadcast_in_dim3A : f32 to vector<16xf32>
    %swap3A = arith.constant 0 : index
    %swap3A_4 = tpu.vector_load %arg6[%swap3A] {strides = array<i32>} : memref<128xf32, #tpu.memory_space<vmem>>, vector<16xf32>,
    %swap3A_5 = vector.shape_cast %swap3A_4 : vector<16xf32> to vector<16xf32>
    %swap3A_6 = vector.shape_cast %broadcast_in_dim3A_3 : vector<16xf32> to vector<16xf32>
    tpu.vector_store %arg6[%swap3A], %swap3A_6 {strides = array<i32>} : memref<128xf32, #tpu.memory_space<vmem>>, vector<16xf32>,
    %broadcast_in_dim3A_7 = arith.constant 1.000000e+00 : f32
    %broadcast_in_dim3A_8 = vector.broadcast %broadcast_in_dim3A_7 : f32 to vector<16xf32>
    %swap3A_9 = arith.constant 16 : index
    %swap3A_10 = tpu.vector_load %arg6[%swap3A_9] {strides = array<i32>} : memref<128xf32, #tpu.memory_space<vmem>>, vector<16xf32>,
    %swap3A_11 = vector.shape_cast %swap3A_10 : vector<16xf32> to vector<16xf32>
    %swap3A_12 = vector.shape_cast %broadcast_in_dim3A_8 : vector<16xf32> to vector<16xf32>
    tpu.vector_store %arg6[%swap3A_9], %swap3A_12 {strides = array<i32>} : memref<128xf32, #tpu.memory_space<vmem>>, vector<16xf32>,
    %broadcast_in_dim3A_13 = arith.constant 1.000000e+00 : f32
    %broadcast_in_dim3A_14 = vector.broadcast %broadcast_in_dim3A_13 : f32 to vector<16xf32>
    %swap3A_15 = arith.constant 32 : index
    %swap3A_16 = tpu.vector_load %arg6[%swap3A_15] {strides = array<i32>} : memref<128xf32, #tpu.memory_space<vmem>>, vector<16xf32>,
    %swap3A_17 = vector.shape_cast %swap3A_16 : vector<16xf32> to vector<16xf32>
    %swap3A_18 = vector.shape_cast %broadcast_in_dim3A_14 : vector<16xf32> to vector<16xf32>
    tpu.vector_store %arg6[%swap3A_15], %swap3A_18 {strides = array<i32>} : memref<128xf32, #tpu.memory_space<vmem>>, vector<16xf32>,
    %broadcast_in_dim3A_19 = arith.constant 1.000000e+00 : f32
    %broadcast_in_dim3A_20 = vector.broadcast %broadcast_in_dim3A_19 : f32 to vector<16xf32>
    %swap3A_21 = arith.constant 48 : index
    %swap3A_22 = tpu.vector_load %arg6[%swap3A_21] {strides = array<i32>} : memref<128xf32, #tpu.memory_space<vmem>>, vector<16xf32>,
    %swap3A_23 = vector.shape_cast %swap3A_22 : vector<16xf32> to vector<16xf32>
    %swap3A_24 = vector.shape_cast %broadcast_in_dim3A_20 : vector<16xf32> to vector<16xf32>
    tpu.vector_store %arg6[%swap3A_21], %swap3A_24 {strides = array<i32>} : memref<128xf32, #tpu.memory_space<vmem>>, vector<16xf32>,
    %broadcast_in_dim3A_25 = arith.constant 1.000000e+00 : f32
    %broadcast_in_dim3A_26 = vector.broadcast %broadcast_in_dim3A_25 : f32 to vector<16xf32>
    %swap3A_27 = arith.constant 64 : index
    %swap3A_28 = tpu.vector_load %arg6[%swap3A_27] {strides = array<i32>} : memref<128xf32, #tpu.memory_space<vmem>>, vector<16xf32>,
    %swap3A_29 = vector.shape_cast %swap3A_28 : vector<16xf32> to vector<16xf32>
    %swap3A_30 = vector.shape_cast %broadcast_in_dim3A_26 : vector<16xf32> to vector<16xf32>
    tpu.vector_store %arg6[%swap3A_27], %swap3A_30 {strides = array<i32>} : memref<128xf32, #tpu.memory_space<vmem>>, vector<16xf32>,
    %broadcast_in_dim3A_31 = arith.constant 1.000000e+00 : f32
    %broadcast_in_dim3A_32 = vector.broadcast %broadcast_in_dim3A_31 : f32 to vector<16xf32>
    %swap3A_33 = arith.constant 80 : index
    %swap3A_34 = tpu.vector_load %arg6[%swap3A_33] {strides = array<i32>} : memref<128xf32, #tpu.memory_space<vmem>>, vector<16xf32>,
    %swap3A_35 = vector.shape_cast %swap3A_34 : vector<16xf32> to vector<16xf32>
    %swap3A_36 = vector.shape_cast %broadcast_in_dim3A_32 : vector<16xf32> to vector<16xf32>
    tpu.vector_store %arg6[%swap3A_33], %swap3A_36 {strides = array<i32>} : memref<128xf32, #tpu.memory_space<vmem>>, vector<16xf32>,
    %broadcast_in_dim3A_37 = arith.constant 1.000000e+00 : f32
    %broadcast_in_dim3A_38 = vector.broadcast %broadcast_in_dim3A_37 : f32 to vector<16xf32>
    %swap3A_39 = arith.constant 96 : index
    %swap3A_40 = tpu.vector_load %arg6[%swap3A_39] {strides = array<i32>} : memref<128xf32, #tpu.memory_space<vmem>>, vector<16xf32>,
    %swap3A_41 = vector.shape_cast %swap3A_40 : vector<16xf32> to vector<16xf32>
    %swap3A_42 = vector.shape_cast %broadcast_in_dim3A_38 : vector<16xf32> to vector<16xf32>
    tpu.vector_store %arg6[%swap3A_39], %swap3A_42 {strides = array<i32>} : memref<128xf32, #tpu.memory_space<vmem>>, vector<16xf32>,
    %broadcast_in_dim3A_43 = arith.constant 1.000000e+00 : f32
    %broadcast_in_dim3A_44 = vector.broadcast %broadcast_in_dim3A_43 : f32 to vector<16xf32>
    %swap3A_45 = arith.constant 112 : index
    %swap3A_46 = tpu.vector_load %arg6[%swap3A_45] {strides = array<i32>} : memref<128xf32, #tpu.memory_space<vmem>>, vector<16xf32>,
    %swap3A_47 = vector.shape_cast %swap3A_46 : vector<16xf32> to vector<16xf32>
    %swap3A_48 = vector.shape_cast %broadcast_in_dim3A_44 : vector<16xf32> to vector<16xf32>
    tpu.vector_store %arg6[%swap3A_45], %swap3A_48 {strides = array<i32>} : memref<128xf32, #tpu.memory_space<vmem>>, vector<16xf32>,
    %barrier3A = arith.constant 0 : index
    tpu.barrier barrier_id(%barrier3A)
    %scan3A = arith.constant 0 : i32
    %scan3A_49 = arith.constant 79 : i32
    %scan3A_50 = arith.addi %scan3A, %scan3A_49 : i32
    %scan3A_51 = arith.constant 1 : i32
    scf.for %scan3A_58 = %scan3A to %scan3A_50 step %scan3A_51  : i32 {
      "tpu.region"() ({
        %run_scoped3A = tpu.sem_alloc : memref<!tpu.dma_semaphore, #tpu.memory_space<semaphore_mem>>
        %dma_start3A = arith.constant 0 : i32
        %dma_start3A_59 = tpu.memref_slice %arg5[%scan3A_58, %dma_start3A] : memref<79x128xi32, #tpu.memory_space<vmem>> -> memref<1x128xi32, #tpu.memory_space<vmem>>
        %dma_start3A_60 = tpu.memref_squeeze %dma_start3A_59 : memref<1x128xi32, #tpu.memory_space<vmem>> -> memref<128xi32, #tpu.memory_space<vmem>>
        %dma_start3A_61 = arith.constant 0 : i32
        %dma_start3A_62 = tpu.memref_slice %arg7[%dma_start3A_61] : memref<10240xf32, #tpu.memory_space<vmem_shared>> -> memref<10240xf32, #tpu.memory_space<vmem_shared>>
        tpu.enqueue_indirect_dma source(%arg6 : memref<128xf32, #tpu.memory_space<vmem>>) target(%dma_start3A_62 : memref<10240xf32, #tpu.memory_space<vmem_shared>>) offsets(%dma_start3A_60 : memref<128xi32, #tpu.memory_space<vmem>>) semaphore(%run_scoped3A : memref<!tpu.dma_semaphore, #tpu.memory_space<semaphore_mem>>) {add = true}
        %dma_wait3A = arith.constant 0 : i32
        %dma_wait3A_63 = tpu.memref_slice %arg5[%scan3A_58, %dma_wait3A] : memref<79x128xi32, #tpu.memory_space<vmem>> -> memref<1x128xi32, #tpu.memory_space<vmem>>
        %dma_wait3A_64 = tpu.memref_squeeze %dma_wait3A_63 : memref<1x128xi32, #tpu.memory_space<vmem>> -> memref<128xi32, #tpu.memory_space<vmem>>
        %dma_wait3A_65 = arith.constant 0 : i32
        %dma_wait3A_66 = tpu.memref_slice %arg7[%dma_wait3A_65] : memref<10240xf32, #tpu.memory_space<vmem_shared>> -> memref<10240xf32, #tpu.memory_space<vmem_shared>>
        tpu.wait_indirect_dma semaphore(%run_scoped3A : memref<!tpu.dma_semaphore, #tpu.memory_space<semaphore_mem>>) src(%arg6 : memref<128xf32, #tpu.memory_space<vmem>>) dst(%dma_wait3A_66 : memref<10240xf32, #tpu.memory_space<vmem_shared>>)
        tpu.yield
      }) : () -> ()
    }
    %scan3A_52 = arith.constant 79 : i32
    %barrier3A_53 = arith.constant 0 : index
    tpu.barrier barrier_id(%barrier3A_53)
    %mul3A_54 = arith.constant 640 : i32
    %mul3A_55 = arith.muli %arg1, %mul3A_54 : i32
    %mul3A_56 = arith.constant 640 : i32
    %mul3A_57 = arith.muli %arg1, %mul3A_56 : i32
    "tpu.region"() ({
      %run_scoped3A = tpu.sem_alloc : memref<!tpu.dma_semaphore, #tpu.memory_space<semaphore_mem>>
      %dma_start3A = tpu.memref_slice %arg4[%arg0, %mul3A_57] : memref<2x10240xf32, #tpu.memory_space<hbm>> -> memref<1x640xf32, #tpu.memory_space<hbm>>
      %dma_start3A_58 = tpu.memref_squeeze %dma_start3A : memref<1x640xf32, #tpu.memory_space<hbm>> -> memref<640xf32, #tpu.memory_space<hbm>>
      %dma_start3A_59 = tpu.memref_slice %arg7[%mul3A_55] : memref<10240xf32, #tpu.memory_space<vmem_shared>> -> memref<640xf32, #tpu.memory_space<vmem_shared>>
      tpu.enqueue_dma source(%dma_start3A_59 : memref<640xf32, #tpu.memory_space<vmem_shared>>) target(%dma_start3A_58 : memref<640xf32, #tpu.memory_space<hbm>>) target_semaphore(%run_scoped3A : memref<!tpu.dma_semaphore, #tpu.memory_space<semaphore_mem>>)
      %dma_wait3A = tpu.memref_slice %arg4[%arg0, %mul3A_57] : memref<2x10240xf32, #tpu.memory_space<hbm>> -> memref<1x640xf32, #tpu.memory_space<hbm>>
      %dma_wait3A_60 = tpu.memref_squeeze %dma_wait3A : memref<1x640xf32, #tpu.memory_space<hbm>> -> memref<640xf32, #tpu.memory_space<hbm>>
      %dma_wait3A_61 = tpu.memref_slice %arg7[%mul3A_55] : memref<10240xf32, #tpu.memory_space<vmem_shared>> -> memref<640xf32, #tpu.memory_space<vmem_shared>>
      tpu.wait_dma2 semaphore(%run_scoped3A : memref<!tpu.dma_semaphore, #tpu.memory_space<semaphore_mem>>) src(%dma_wait3A_61 : memref<640xf32, #tpu.memory_space<vmem_shared>>) dst(%dma_wait3A_60 : memref<640xf32, #tpu.memory_space<hbm>>)
      tpu.yield
    }) : () -> ()
    return
  }
}

#map = affine_map<(d0, d1) -> (0, 0)>
#map1 = affine_map<(d0, d1) -> (0, 0, 0)>
module attributes {stable_mosaic.version = 14 : i64} {
  func.func @_agg_body(%arg0: i32, %arg1: i32, %arg2: memref<10240x128xf32, #tpu.memory_space<hbm>>, %arg3: memref<32x79x128xi32, #tpu.memory_space<hbm>>, %arg4: memref<32x79x128xi32, #tpu.memory_space<hbm>>, %arg5: memref<2x10240x128xf32, #tpu.memory_space<hbm>>, %arg6: memref<79x128xi32, #tpu.memory_space<vmem>>, %arg7: memref<79x128xi32, #tpu.memory_space<vmem>>, %arg8: memref<128x128xf32, #tpu.memory_space<vmem>>, %arg9: memref<10240x128xf32, #tpu.memory_space<vmem_shared>>, %arg10: memref<!tpu.dma_semaphore, #tpu.memory_space<semaphore_mem>>) attributes {dimension_semantics = [#tpu.dimension_semantics<core_parallel>, #tpu.dimension_semantics<subcore_parallel>], iteration_bounds = array<i64: 2, 16>, scalar_prefetch = 0 : i64, scratch_operands = 5 : i64, tpu.core_type = #tpu.core_type<sc_vector_subcore>, window_params = [{transform_indices = #map}, {transform_indices = #map1}, {transform_indices = #map1}, {transform_indices = #map1}]} {
    %mul3A = arith.constant 16 : i32
    %mul3A_0 = arith.muli %arg0, %mul3A : i32
    %add3A = arith.addi %mul3A_0, %arg1 : i32
    %dma_start3A = arith.constant 0 : i32
    %dma_start3A_1 = arith.constant 0 : i32
    %dma_start3A_2 = tpu.memref_slice %arg3[%add3A, %dma_start3A, %dma_start3A_1] : memref<32x79x128xi32, #tpu.memory_space<hbm>> -> memref<1x79x128xi32, #tpu.memory_space<hbm>>
    %dma_start3A_3 = tpu.memref_squeeze %dma_start3A_2 : memref<1x79x128xi32, #tpu.memory_space<hbm>> -> memref<79x128xi32, #tpu.memory_space<hbm>>
    %dma_start3A_4 = arith.constant 0 : i32
    %dma_start3A_5 = arith.constant 0 : i32
    %dma_start3A_6 = tpu.memref_slice %arg3[%add3A, %dma_start3A_4, %dma_start3A_5] : memref<32x79x128xi32, #tpu.memory_space<hbm>> -> memref<1x79x128xi32, #tpu.memory_space<hbm>>
    %dma_start3A_7 = tpu.memref_squeeze %dma_start3A_6 : memref<1x79x128xi32, #tpu.memory_space<hbm>> -> memref<79x128xi32, #tpu.memory_space<hbm>>
    tpu.enqueue_dma source(%dma_start3A_7 : memref<79x128xi32, #tpu.memory_space<hbm>>) target(%arg6 : memref<79x128xi32, #tpu.memory_space<vmem>>) target_semaphore(%arg10 : memref<!tpu.dma_semaphore, #tpu.memory_space<semaphore_mem>>)
    %dma_start3A_8 = arith.constant 0 : i32
    %dma_start3A_9 = arith.constant 0 : i32
    %dma_start3A_10 = tpu.memref_slice %arg4[%add3A, %dma_start3A_8, %dma_start3A_9] : memref<32x79x128xi32, #tpu.memory_space<hbm>> -> memref<1x79x128xi32, #tpu.memory_space<hbm>>
    %dma_start3A_11 = tpu.memref_squeeze %dma_start3A_10 : memref<1x79x128xi32, #tpu.memory_space<hbm>> -> memref<79x128xi32, #tpu.memory_space<hbm>>
    %dma_start3A_12 = arith.constant 0 : i32
    %dma_start3A_13 = arith.constant 0 : i32
    %dma_start3A_14 = tpu.memref_slice %arg4[%add3A, %dma_start3A_12, %dma_start3A_13] : memref<32x79x128xi32, #tpu.memory_space<hbm>> -> memref<1x79x128xi32, #tpu.memory_space<hbm>>
    %dma_start3A_15 = tpu.memref_squeeze %dma_start3A_14 : memref<1x79x128xi32, #tpu.memory_space<hbm>> -> memref<79x128xi32, #tpu.memory_space<hbm>>
    tpu.enqueue_dma source(%dma_start3A_15 : memref<79x128xi32, #tpu.memory_space<hbm>>) target(%arg7 : memref<79x128xi32, #tpu.memory_space<vmem>>) target_semaphore(%arg10 : memref<!tpu.dma_semaphore, #tpu.memory_space<semaphore_mem>>)
    %scan3A = arith.constant 0 : i32
    %scan3A_16 = arith.constant 128 : i32
    %scan3A_17 = arith.addi %scan3A, %scan3A_16 : i32
    %scan3A_18 = arith.constant 1 : i32
    scf.for %scan3A_65 = %scan3A to %scan3A_17 step %scan3A_18  : i32 {
      %mul3A_66 = arith.constant 1 : i32
      %mul3A_67 = arith.muli %scan3A_65, %mul3A_66 : i32
      %add3A_68 = arith.constant 0 : i32
      %add3A_69 = arith.addi %add3A_68, %mul3A_67 : i32
      %broadcast_in_dim3A = arith.constant 0.000000e+00 : f32
      %broadcast_in_dim3A_70 = vector.broadcast %broadcast_in_dim3A : f32 to vector<16xf32>
      %swap3A = arith.index_cast %add3A_69 : i32 to index
      %swap3A_71 = arith.constant 0 : index
      %swap3A_72 = tpu.vector_load %arg8[%swap3A, %swap3A_71] {strides = array<i32>} : memref<128x128xf32, #tpu.memory_space<vmem>>, vector<1x16xf32>,
      %swap3A_73 = vector.shape_cast %swap3A_72 : vector<1x16xf32> to vector<16xf32>
      %swap3A_74 = vector.shape_cast %broadcast_in_dim3A_70 : vector<16xf32> to vector<1x16xf32>
      tpu.vector_store %arg8[%swap3A, %swap3A_71], %swap3A_74 {strides = array<i32>} : memref<128x128xf32, #tpu.memory_space<vmem>>, vector<1x16xf32>,
      %broadcast_in_dim3A_75 = arith.constant 0.000000e+00 : f32
      %broadcast_in_dim3A_76 = vector.broadcast %broadcast_in_dim3A_75 : f32 to vector<16xf32>
      %swap3A_77 = arith.index_cast %add3A_69 : i32 to index
      %swap3A_78 = arith.constant 16 : index
      %swap3A_79 = tpu.vector_load %arg8[%swap3A_77, %swap3A_78] {strides = array<i32>} : memref<128x128xf32, #tpu.memory_space<vmem>>, vector<1x16xf32>,
      %swap3A_80 = vector.shape_cast %swap3A_79 : vector<1x16xf32> to vector<16xf32>
      %swap3A_81 = vector.shape_cast %broadcast_in_dim3A_76 : vector<16xf32> to vector<1x16xf32>
      tpu.vector_store %arg8[%swap3A_77, %swap3A_78], %swap3A_81 {strides = array<i32>} : memref<128x128xf32, #tpu.memory_space<vmem>>, vector<1x16xf32>,
      %broadcast_in_dim3A_82 = arith.constant 0.000000e+00 : f32
      %broadcast_in_dim3A_83 = vector.broadcast %broadcast_in_dim3A_82 : f32 to vector<16xf32>
      %swap3A_84 = arith.index_cast %add3A_69 : i32 to index
      %swap3A_85 = arith.constant 32 : index
      %swap3A_86 = tpu.vector_load %arg8[%swap3A_84, %swap3A_85] {strides = array<i32>} : memref<128x128xf32, #tpu.memory_space<vmem>>, vector<1x16xf32>,
      %swap3A_87 = vector.shape_cast %swap3A_86 : vector<1x16xf32> to vector<16xf32>
      %swap3A_88 = vector.shape_cast %broadcast_in_dim3A_83 : vector<16xf32> to vector<1x16xf32>
      tpu.vector_store %arg8[%swap3A_84, %swap3A_85], %swap3A_88 {strides = array<i32>} : memref<128x128xf32, #tpu.memory_space<vmem>>, vector<1x16xf32>,
      %broadcast_in_dim3A_89 = arith.constant 0.000000e+00 : f32
      %broadcast_in_dim3A_90 = vector.broadcast %broadcast_in_dim3A_89 : f32 to vector<16xf32>
      %swap3A_91 = arith.index_cast %add3A_69 : i32 to index
      %swap3A_92 = arith.constant 48 : index
      %swap3A_93 = tpu.vector_load %arg8[%swap3A_91, %swap3A_92] {strides = array<i32>} : memref<128x128xf32, #tpu.memory_space<vmem>>, vector<1x16xf32>,
      %swap3A_94 = vector.shape_cast %swap3A_93 : vector<1x16xf32> to vector<16xf32>
      %swap3A_95 = vector.shape_cast %broadcast_in_dim3A_90 : vector<16xf32> to vector<1x16xf32>
      tpu.vector_store %arg8[%swap3A_91, %swap3A_92], %swap3A_95 {strides = array<i32>} : memref<128x128xf32, #tpu.memory_space<vmem>>, vector<1x16xf32>,
      %broadcast_in_dim3A_96 = arith.constant 0.000000e+00 : f32
      %broadcast_in_dim3A_97 = vector.broadcast %broadcast_in_dim3A_96 : f32 to vector<16xf32>
      %swap3A_98 = arith.index_cast %add3A_69 : i32 to index
      %swap3A_99 = arith.constant 64 : index
      %swap3A_100 = tpu.vector_load %arg8[%swap3A_98, %swap3A_99] {strides = array<i32>} : memref<128x128xf32, #tpu.memory_space<vmem>>, vector<1x16xf32>,
      %swap3A_101 = vector.shape_cast %swap3A_100 : vector<1x16xf32> to vector<16xf32>
      %swap3A_102 = vector.shape_cast %broadcast_in_dim3A_97 : vector<16xf32> to vector<1x16xf32>
      tpu.vector_store %arg8[%swap3A_98, %swap3A_99], %swap3A_102 {strides = array<i32>} : memref<128x128xf32, #tpu.memory_space<vmem>>, vector<1x16xf32>,
      %broadcast_in_dim3A_103 = arith.constant 0.000000e+00 : f32
      %broadcast_in_dim3A_104 = vector.broadcast %broadcast_in_dim3A_103 : f32 to vector<16xf32>
      %swap3A_105 = arith.index_cast %add3A_69 : i32 to index
      %swap3A_106 = arith.constant 80 : index
      %swap3A_107 = tpu.vector_load %arg8[%swap3A_105, %swap3A_106] {strides = array<i32>} : memref<128x128xf32, #tpu.memory_space<vmem>>, vector<1x16xf32>,
      %swap3A_108 = vector.shape_cast %swap3A_107 : vector<1x16xf32> to vector<16xf32>
      %swap3A_109 = vector.shape_cast %broadcast_in_dim3A_104 : vector<16xf32> to vector<1x16xf32>
      tpu.vector_store %arg8[%swap3A_105, %swap3A_106], %swap3A_109 {strides = array<i32>} : memref<128x128xf32, #tpu.memory_space<vmem>>, vector<1x16xf32>,
      %broadcast_in_dim3A_110 = arith.constant 0.000000e+00 : f32
      %broadcast_in_dim3A_111 = vector.broadcast %broadcast_in_dim3A_110 : f32 to vector<16xf32>
      %swap3A_112 = arith.index_cast %add3A_69 : i32 to index
      %swap3A_113 = arith.constant 96 : index
      %swap3A_114 = tpu.vector_load %arg8[%swap3A_112, %swap3A_113] {strides = array<i32>} : memref<128x128xf32, #tpu.memory_space<vmem>>, vector<1x16xf32>,
      %swap3A_115 = vector.shape_cast %swap3A_114 : vector<1x16xf32> to vector<16xf32>
      %swap3A_116 = vector.shape_cast %broadcast_in_dim3A_111 : vector<16xf32> to vector<1x16xf32>
      tpu.vector_store %arg8[%swap3A_112, %swap3A_113], %swap3A_116 {strides = array<i32>} : memref<128x128xf32, #tpu.memory_space<vmem>>, vector<1x16xf32>,
      %broadcast_in_dim3A_117 = arith.constant 0.000000e+00 : f32
      %broadcast_in_dim3A_118 = vector.broadcast %broadcast_in_dim3A_117 : f32 to vector<16xf32>
      %swap3A_119 = arith.index_cast %add3A_69 : i32 to index
      %swap3A_120 = arith.constant 112 : index
      %swap3A_121 = tpu.vector_load %arg8[%swap3A_119, %swap3A_120] {strides = array<i32>} : memref<128x128xf32, #tpu.memory_space<vmem>>, vector<1x16xf32>,
      %swap3A_122 = vector.shape_cast %swap3A_121 : vector<1x16xf32> to vector<16xf32>
      %swap3A_123 = vector.shape_cast %broadcast_in_dim3A_118 : vector<16xf32> to vector<1x16xf32>
      tpu.vector_store %arg8[%swap3A_119, %swap3A_120], %swap3A_123 {strides = array<i32>} : memref<128x128xf32, #tpu.memory_space<vmem>>, vector<1x16xf32>,
    }
    %scan3A_19 = arith.constant 128 : i32
    %mul3A_20 = arith.constant 640 : i32
    %mul3A_21 = arith.muli %arg1, %mul3A_20 : i32
    %add3A_22 = arith.constant 0 : i32
    %add3A_23 = arith.addi %mul3A_21, %add3A_22 : i32
    "tpu.region"() ({
      %run_scoped3A = tpu.sem_alloc : memref<!tpu.dma_semaphore, #tpu.memory_space<semaphore_mem>>
      %dma_start3A_65 = arith.constant 0 : i32
      %dma_start3A_66 = tpu.memref_slice %arg9[%add3A_23, %dma_start3A_65] : memref<10240x128xf32, #tpu.memory_space<vmem_shared>> -> memref<128x128xf32, #tpu.memory_space<vmem_shared>>
      %dma_start3A_67 = arith.constant 0 : i32
      %dma_start3A_68 = tpu.memref_slice %arg9[%add3A_23, %dma_start3A_67] : memref<10240x128xf32, #tpu.memory_space<vmem_shared>> -> memref<128x128xf32, #tpu.memory_space<vmem_shared>>
      tpu.enqueue_dma source(%arg8 : memref<128x128xf32, #tpu.memory_space<vmem>>) target(%dma_start3A_68 : memref<128x128xf32, #tpu.memory_space<vmem_shared>>) target_semaphore(%run_scoped3A : memref<!tpu.dma_semaphore, #tpu.memory_space<semaphore_mem>>)
      %dma_wait3A_69 = arith.constant 0 : i32
      %dma_wait3A_70 = tpu.memref_slice %arg9[%add3A_23, %dma_wait3A_69] : memref<10240x128xf32, #tpu.memory_space<vmem_shared>> -> memref<128x128xf32, #tpu.memory_space<vmem_shared>>
      %dma_wait3A_71 = arith.constant 0 : i32
      %dma_wait3A_72 = tpu.memref_slice %arg9[%add3A_23, %dma_wait3A_71] : memref<10240x128xf32, #tpu.memory_space<vmem_shared>> -> memref<128x128xf32, #tpu.memory_space<vmem_shared>>
      tpu.wait_dma2 semaphore(%run_scoped3A : memref<!tpu.dma_semaphore, #tpu.memory_space<semaphore_mem>>) src(%arg8 : memref<128x128xf32, #tpu.memory_space<vmem>>) dst(%dma_wait3A_72 : memref<128x128xf32, #tpu.memory_space<vmem_shared>>)
      tpu.yield
    }) : () -> ()
    %mul3A_24 = arith.constant 640 : i32
    %mul3A_25 = arith.muli %arg1, %mul3A_24 : i32
    %add3A_26 = arith.constant 128 : i32
    %add3A_27 = arith.addi %mul3A_25, %add3A_26 : i32
    "tpu.region"() ({
      %run_scoped3A = tpu.sem_alloc : memref<!tpu.dma_semaphore, #tpu.memory_space<semaphore_mem>>
      %dma_start3A_65 = arith.constant 0 : i32
      %dma_start3A_66 = tpu.memref_slice %arg9[%add3A_27, %dma_start3A_65] : memref<10240x128xf32, #tpu.memory_space<vmem_shared>> -> memref<128x128xf32, #tpu.memory_space<vmem_shared>>
      %dma_start3A_67 = arith.constant 0 : i32
      %dma_start3A_68 = tpu.memref_slice %arg9[%add3A_27, %dma_start3A_67] : memref<10240x128xf32, #tpu.memory_space<vmem_shared>> -> memref<128x128xf32, #tpu.memory_space<vmem_shared>>
      tpu.enqueue_dma source(%arg8 : memref<128x128xf32, #tpu.memory_space<vmem>>) target(%dma_start3A_68 : memref<128x128xf32, #tpu.memory_space<vmem_shared>>) target_semaphore(%run_scoped3A : memref<!tpu.dma_semaphore, #tpu.memory_space<semaphore_mem>>)
      %dma_wait3A_69 = arith.constant 0 : i32
      %dma_wait3A_70 = tpu.memref_slice %arg9[%add3A_27, %dma_wait3A_69] : memref<10240x128xf32, #tpu.memory_space<vmem_shared>> -> memref<128x128xf32, #tpu.memory_space<vmem_shared>>
      %dma_wait3A_71 = arith.constant 0 : i32
      %dma_wait3A_72 = tpu.memref_slice %arg9[%add3A_27, %dma_wait3A_71] : memref<10240x128xf32, #tpu.memory_space<vmem_shared>> -> memref<128x128xf32, #tpu.memory_space<vmem_shared>>
      tpu.wait_dma2 semaphore(%run_scoped3A : memref<!tpu.dma_semaphore, #tpu.memory_space<semaphore_mem>>) src(%arg8 : memref<128x128xf32, #tpu.memory_space<vmem>>) dst(%dma_wait3A_72 : memref<128x128xf32, #tpu.memory_space<vmem_shared>>)
      tpu.yield
    }) : () -> ()
    %mul3A_28 = arith.constant 640 : i32
    %mul3A_29 = arith.muli %arg1, %mul3A_28 : i32
    %add3A_30 = arith.constant 256 : i32
    %add3A_31 = arith.addi %mul3A_29, %add3A_30 : i32
    "tpu.region"() ({
      %run_scoped3A = tpu.sem_alloc : memref<!tpu.dma_semaphore, #tpu.memory_space<semaphore_mem>>
      %dma_start3A_65 = arith.constant 0 : i32
      %dma_start3A_66 = tpu.memref_slice %arg9[%add3A_31, %dma_start3A_65] : memref<10240x128xf32, #tpu.memory_space<vmem_shared>> -> memref<128x128xf32, #tpu.memory_space<vmem_shared>>
      %dma_start3A_67 = arith.constant 0 : i32
      %dma_start3A_68 = tpu.memref_slice %arg9[%add3A_31, %dma_start3A_67] : memref<10240x128xf32, #tpu.memory_space<vmem_shared>> -> memref<128x128xf32, #tpu.memory_space<vmem_shared>>
      tpu.enqueue_dma source(%arg8 : memref<128x128xf32, #tpu.memory_space<vmem>>) target(%dma_start3A_68 : memref<128x128xf32, #tpu.memory_space<vmem_shared>>) target_semaphore(%run_scoped3A : memref<!tpu.dma_semaphore, #tpu.memory_space<semaphore_mem>>)
      %dma_wait3A_69 = arith.constant 0 : i32
      %dma_wait3A_70 = tpu.memref_slice %arg9[%add3A_31, %dma_wait3A_69] : memref<10240x128xf32, #tpu.memory_space<vmem_shared>> -> memref<128x128xf32, #tpu.memory_space<vmem_shared>>
      %dma_wait3A_71 = arith.constant 0 : i32
      %dma_wait3A_72 = tpu.memref_slice %arg9[%add3A_31, %dma_wait3A_71] : memref<10240x128xf32, #tpu.memory_space<vmem_shared>> -> memref<128x128xf32, #tpu.memory_space<vmem_shared>>
      tpu.wait_dma2 semaphore(%run_scoped3A : memref<!tpu.dma_semaphore, #tpu.memory_space<semaphore_mem>>) src(%arg8 : memref<128x128xf32, #tpu.memory_space<vmem>>) dst(%dma_wait3A_72 : memref<128x128xf32, #tpu.memory_space<vmem_shared>>)
      tpu.yield
    }) : () -> ()
    %mul3A_32 = arith.constant 640 : i32
    %mul3A_33 = arith.muli %arg1, %mul3A_32 : i32
    %add3A_34 = arith.constant 384 : i32
    %add3A_35 = arith.addi %mul3A_33, %add3A_34 : i32
    "tpu.region"() ({
      %run_scoped3A = tpu.sem_alloc : memref<!tpu.dma_semaphore, #tpu.memory_space<semaphore_mem>>
      %dma_start3A_65 = arith.constant 0 : i32
      %dma_start3A_66 = tpu.memref_slice %arg9[%add3A_35, %dma_start3A_65] : memref<10240x128xf32, #tpu.memory_space<vmem_shared>> -> memref<128x128xf32, #tpu.memory_space<vmem_shared>>
      %dma_start3A_67 = arith.constant 0 : i32
      %dma_start3A_68 = tpu.memref_slice %arg9[%add3A_35, %dma_start3A_67] : memref<10240x128xf32, #tpu.memory_space<vmem_shared>> -> memref<128x128xf32, #tpu.memory_space<vmem_shared>>
      tpu.enqueue_dma source(%arg8 : memref<128x128xf32, #tpu.memory_space<vmem>>) target(%dma_start3A_68 : memref<128x128xf32, #tpu.memory_space<vmem_shared>>) target_semaphore(%run_scoped3A : memref<!tpu.dma_semaphore, #tpu.memory_space<semaphore_mem>>)
      %dma_wait3A_69 = arith.constant 0 : i32
      %dma_wait3A_70 = tpu.memref_slice %arg9[%add3A_35, %dma_wait3A_69] : memref<10240x128xf32, #tpu.memory_space<vmem_shared>> -> memref<128x128xf32, #tpu.memory_space<vmem_shared>>
      %dma_wait3A_71 = arith.constant 0 : i32
      %dma_wait3A_72 = tpu.memref_slice %arg9[%add3A_35, %dma_wait3A_71] : memref<10240x128xf32, #tpu.memory_space<vmem_shared>> -> memref<128x128xf32, #tpu.memory_space<vmem_shared>>
      tpu.wait_dma2 semaphore(%run_scoped3A : memref<!tpu.dma_semaphore, #tpu.memory_space<semaphore_mem>>) src(%arg8 : memref<128x128xf32, #tpu.memory_space<vmem>>) dst(%dma_wait3A_72 : memref<128x128xf32, #tpu.memory_space<vmem_shared>>)
      tpu.yield
    }) : () -> ()
    %mul3A_36 = arith.constant 640 : i32
    %mul3A_37 = arith.muli %arg1, %mul3A_36 : i32
    %add3A_38 = arith.constant 512 : i32
    %add3A_39 = arith.addi %mul3A_37, %add3A_38 : i32
    "tpu.region"() ({
      %run_scoped3A = tpu.sem_alloc : memref<!tpu.dma_semaphore, #tpu.memory_space<semaphore_mem>>
      %dma_start3A_65 = arith.constant 0 : i32
      %dma_start3A_66 = tpu.memref_slice %arg9[%add3A_39, %dma_start3A_65] : memref<10240x128xf32, #tpu.memory_space<vmem_shared>> -> memref<128x128xf32, #tpu.memory_space<vmem_shared>>
      %dma_start3A_67 = arith.constant 0 : i32
      %dma_start3A_68 = tpu.memref_slice %arg9[%add3A_39, %dma_start3A_67] : memref<10240x128xf32, #tpu.memory_space<vmem_shared>> -> memref<128x128xf32, #tpu.memory_space<vmem_shared>>
      tpu.enqueue_dma source(%arg8 : memref<128x128xf32, #tpu.memory_space<vmem>>) target(%dma_start3A_68 : memref<128x128xf32, #tpu.memory_space<vmem_shared>>) target_semaphore(%run_scoped3A : memref<!tpu.dma_semaphore, #tpu.memory_space<semaphore_mem>>)
      %dma_wait3A_69 = arith.constant 0 : i32
      %dma_wait3A_70 = tpu.memref_slice %arg9[%add3A_39, %dma_wait3A_69] : memref<10240x128xf32, #tpu.memory_space<vmem_shared>> -> memref<128x128xf32, #tpu.memory_space<vmem_shared>>
      %dma_wait3A_71 = arith.constant 0 : i32
      %dma_wait3A_72 = tpu.memref_slice %arg9[%add3A_39, %dma_wait3A_71] : memref<10240x128xf32, #tpu.memory_space<vmem_shared>> -> memref<128x128xf32, #tpu.memory_space<vmem_shared>>
      tpu.wait_dma2 semaphore(%run_scoped3A : memref<!tpu.dma_semaphore, #tpu.memory_space<semaphore_mem>>) src(%arg8 : memref<128x128xf32, #tpu.memory_space<vmem>>) dst(%dma_wait3A_72 : memref<128x128xf32, #tpu.memory_space<vmem_shared>>)
      tpu.yield
    }) : () -> ()
    %dma_wait3A = arith.constant 0 : i32
    %dma_wait3A_40 = arith.constant 0 : i32
    %dma_wait3A_41 = tpu.memref_slice %arg3[%add3A, %dma_wait3A, %dma_wait3A_40] : memref<32x79x128xi32, #tpu.memory_space<hbm>> -> memref<1x79x128xi32, #tpu.memory_space<hbm>>
    %dma_wait3A_42 = tpu.memref_squeeze %dma_wait3A_41 : memref<1x79x128xi32, #tpu.memory_space<hbm>> -> memref<79x128xi32, #tpu.memory_space<hbm>>
    %dma_wait3A_43 = arith.constant 0 : i32
    %dma_wait3A_44 = arith.constant 0 : i32
    %dma_wait3A_45 = tpu.memref_slice %arg3[%add3A, %dma_wait3A_43, %dma_wait3A_44] : memref<32x79x128xi32, #tpu.memory_space<hbm>> -> memref<1x79x128xi32, #tpu.memory_space<hbm>>
    %dma_wait3A_46 = tpu.memref_squeeze %dma_wait3A_45 : memref<1x79x128xi32, #tpu.memory_space<hbm>> -> memref<79x128xi32, #tpu.memory_space<hbm>>
    tpu.wait_dma2 semaphore(%arg10 : memref<!tpu.dma_semaphore, #tpu.memory_space<semaphore_mem>>) src(%dma_wait3A_46 : memref<79x128xi32, #tpu.memory_space<hbm>>) dst(%arg6 : memref<79x128xi32, #tpu.memory_space<vmem>>)
    %dma_wait3A_47 = arith.constant 0 : i32
    %dma_wait3A_48 = arith.constant 0 : i32
    %dma_wait3A_49 = tpu.memref_slice %arg4[%add3A, %dma_wait3A_47, %dma_wait3A_48] : memref<32x79x128xi32, #tpu.memory_space<hbm>> -> memref<1x79x128xi32, #tpu.memory_space<hbm>>
    %dma_wait3A_50 = tpu.memref_squeeze %dma_wait3A_49 : memref<1x79x128xi32, #tpu.memory_space<hbm>> -> memref<79x128xi32, #tpu.memory_space<hbm>>
    %dma_wait3A_51 = arith.constant 0 : i32
    %dma_wait3A_52 = arith.constant 0 : i32
    %dma_wait3A_53 = tpu.memref_slice %arg4[%add3A, %dma_wait3A_51, %dma_wait3A_52] : memref<32x79x128xi32, #tpu.memory_space<hbm>> -> memref<1x79x128xi32, #tpu.memory_space<hbm>>
    %dma_wait3A_54 = tpu.memref_squeeze %dma_wait3A_53 : memref<1x79x128xi32, #tpu.memory_space<hbm>> -> memref<79x128xi32, #tpu.memory_space<hbm>>
    tpu.wait_dma2 semaphore(%arg10 : memref<!tpu.dma_semaphore, #tpu.memory_space<semaphore_mem>>) src(%dma_wait3A_54 : memref<79x128xi32, #tpu.memory_space<hbm>>) dst(%arg7 : memref<79x128xi32, #tpu.memory_space<vmem>>)
    %barrier3A = arith.constant 0 : index
    tpu.barrier barrier_id(%barrier3A)
    %scan3A_55 = arith.constant 0 : i32
    %scan3A_56 = arith.constant 79 : i32
    %scan3A_57 = arith.addi %scan3A_55, %scan3A_56 : i32
    %scan3A_58 = arith.constant 1 : i32
    scf.for %scan3A_65 = %scan3A_55 to %scan3A_57 step %scan3A_58  : i32 {
      %dma_start3A_66 = arith.constant 0 : i32
      %dma_start3A_67 = tpu.memref_slice %arg6[%scan3A_65, %dma_start3A_66] : memref<79x128xi32, #tpu.memory_space<vmem>> -> memref<1x128xi32, #tpu.memory_space<vmem>>
      %dma_start3A_68 = tpu.memref_squeeze %dma_start3A_67 : memref<1x128xi32, #tpu.memory_space<vmem>> -> memref<128xi32, #tpu.memory_space<vmem>>
      %dma_start3A_69 = arith.constant 0 : i32
      %dma_start3A_70 = arith.constant 0 : i32
      %dma_start3A_71 = tpu.memref_slice %arg2[%dma_start3A_69, %dma_start3A_70] : memref<10240x128xf32, #tpu.memory_space<hbm>> -> memref<10240x128xf32, #tpu.memory_space<hbm>>
      tpu.enqueue_indirect_dma source(%dma_start3A_71 : memref<10240x128xf32, #tpu.memory_space<hbm>>) target(%arg8 : memref<128x128xf32, #tpu.memory_space<vmem>>) offsets(%dma_start3A_68 : memref<128xi32, #tpu.memory_space<vmem>>) semaphore(%arg10 : memref<!tpu.dma_semaphore, #tpu.memory_space<semaphore_mem>>)
      %dma_wait3A_72 = arith.constant 0 : i32
      %dma_wait3A_73 = tpu.memref_slice %arg6[%scan3A_65, %dma_wait3A_72] : memref<79x128xi32, #tpu.memory_space<vmem>> -> memref<1x128xi32, #tpu.memory_space<vmem>>
      %dma_wait3A_74 = tpu.memref_squeeze %dma_wait3A_73 : memref<1x128xi32, #tpu.memory_space<vmem>> -> memref<128xi32, #tpu.memory_space<vmem>>
      %dma_wait3A_75 = arith.constant 0 : i32
      %dma_wait3A_76 = arith.constant 0 : i32
      %dma_wait3A_77 = tpu.memref_slice %arg2[%dma_wait3A_75, %dma_wait3A_76] : memref<10240x128xf32, #tpu.memory_space<hbm>> -> memref<10240x128xf32, #tpu.memory_space<hbm>>
      tpu.wait_indirect_dma semaphore(%arg10 : memref<!tpu.dma_semaphore, #tpu.memory_space<semaphore_mem>>) src(%dma_wait3A_77 : memref<10240x128xf32, #tpu.memory_space<hbm>>) dst(%arg8 : memref<128x128xf32, #tpu.memory_space<vmem>>)
      "tpu.region"() ({
        %run_scoped3A = tpu.sem_alloc : memref<!tpu.dma_semaphore, #tpu.memory_space<semaphore_mem>>
        %dma_start3A_78 = arith.constant 0 : i32
        %dma_start3A_79 = tpu.memref_slice %arg7[%scan3A_65, %dma_start3A_78] : memref<79x128xi32, #tpu.memory_space<vmem>> -> memref<1x128xi32, #tpu.memory_space<vmem>>
        %dma_start3A_80 = tpu.memref_squeeze %dma_start3A_79 : memref<1x128xi32, #tpu.memory_space<vmem>> -> memref<128xi32, #tpu.memory_space<vmem>>
        %dma_start3A_81 = arith.constant 0 : i32
        %dma_start3A_82 = arith.constant 0 : i32
        %dma_start3A_83 = tpu.memref_slice %arg9[%dma_start3A_81, %dma_start3A_82] : memref<10240x128xf32, #tpu.memory_space<vmem_shared>> -> memref<10240x128xf32, #tpu.memory_space<vmem_shared>>
        tpu.enqueue_indirect_dma source(%arg8 : memref<128x128xf32, #tpu.memory_space<vmem>>) target(%dma_start3A_83 : memref<10240x128xf32, #tpu.memory_space<vmem_shared>>) offsets(%dma_start3A_80 : memref<128xi32, #tpu.memory_space<vmem>>) semaphore(%run_scoped3A : memref<!tpu.dma_semaphore, #tpu.memory_space<semaphore_mem>>) {add = true}
        %dma_wait3A_84 = arith.constant 0 : i32
        %dma_wait3A_85 = tpu.memref_slice %arg7[%scan3A_65, %dma_wait3A_84] : memref<79x128xi32, #tpu.memory_space<vmem>> -> memref<1x128xi32, #tpu.memory_space<vmem>>
        %dma_wait3A_86 = tpu.memref_squeeze %dma_wait3A_85 : memref<1x128xi32, #tpu.memory_space<vmem>> -> memref<128xi32, #tpu.memory_space<vmem>>
        %dma_wait3A_87 = arith.constant 0 : i32
        %dma_wait3A_88 = arith.constant 0 : i32
        %dma_wait3A_89 = tpu.memref_slice %arg9[%dma_wait3A_87, %dma_wait3A_88] : memref<10240x128xf32, #tpu.memory_space<vmem_shared>> -> memref<10240x128xf32, #tpu.memory_space<vmem_shared>>
        tpu.wait_indirect_dma semaphore(%run_scoped3A : memref<!tpu.dma_semaphore, #tpu.memory_space<semaphore_mem>>) src(%arg8 : memref<128x128xf32, #tpu.memory_space<vmem>>) dst(%dma_wait3A_89 : memref<10240x128xf32, #tpu.memory_space<vmem_shared>>)
        tpu.yield
      }) : () -> ()
    }
    %scan3A_59 = arith.constant 79 : i32
    %barrier3A_60 = arith.constant 0 : index
    tpu.barrier barrier_id(%barrier3A_60)
    %mul3A_61 = arith.constant 640 : i32
    %mul3A_62 = arith.muli %arg1, %mul3A_61 : i32
    %mul3A_63 = arith.constant 640 : i32
    %mul3A_64 = arith.muli %arg1, %mul3A_63 : i32
    "tpu.region"() ({
      %run_scoped3A = tpu.sem_alloc : memref<!tpu.dma_semaphore, #tpu.memory_space<semaphore_mem>>
      %dma_start3A_65 = arith.constant 0 : i32
      %dma_start3A_66 = tpu.memref_slice %arg5[%arg0, %mul3A_64, %dma_start3A_65] : memref<2x10240x128xf32, #tpu.memory_space<hbm>> -> memref<1x640x128xf32, #tpu.memory_space<hbm>>
      %dma_start3A_67 = tpu.memref_squeeze %dma_start3A_66 : memref<1x640x128xf32, #tpu.memory_space<hbm>> -> memref<640x128xf32, #tpu.memory_space<hbm>>
      %dma_start3A_68 = arith.constant 0 : i32
      %dma_start3A_69 = tpu.memref_slice %arg9[%mul3A_62, %dma_start3A_68] : memref<10240x128xf32, #tpu.memory_space<vmem_shared>> -> memref<640x128xf32, #tpu.memory_space<vmem_shared>>
      tpu.enqueue_dma source(%dma_start3A_69 : memref<640x128xf32, #tpu.memory_space<vmem_shared>>) target(%dma_start3A_67 : memref<640x128xf32, #tpu.memory_space<hbm>>) target_semaphore(%run_scoped3A : memref<!tpu.dma_semaphore, #tpu.memory_space<semaphore_mem>>)
      %dma_wait3A_70 = arith.constant 0 : i32
      %dma_wait3A_71 = tpu.memref_slice %arg5[%arg0, %mul3A_64, %dma_wait3A_70] : memref<2x10240x128xf32, #tpu.memory_space<hbm>> -> memref<1x640x128xf32, #tpu.memory_space<hbm>>
      %dma_wait3A_72 = tpu.memref_squeeze %dma_wait3A_71 : memref<1x640x128xf32, #tpu.memory_space<hbm>> -> memref<640x128xf32, #tpu.memory_space<hbm>>
      %dma_wait3A_73 = arith.constant 0 : i32
      %dma_wait3A_74 = tpu.memref_slice %arg9[%mul3A_62, %dma_wait3A_73] : memref<10240x128xf32, #tpu.memory_space<vmem_shared>> -> memref<640x128xf32, #tpu.memory_space<vmem_shared>>
      tpu.wait_dma2 semaphore(%run_scoped3A : memref<!tpu.dma_semaphore, #tpu.memory_space<semaphore_mem>>) src(%dma_wait3A_74 : memref<640x128xf32, #tpu.memory_space<vmem_shared>>) dst(%dma_wait3A_72 : memref<640x128xf32, #tpu.memory_space<hbm>>)
      tpu.yield
    }) : () -> ()
    return
  }
}

#map = affine_map<(d0, d1) -> (0, 0)>
#map1 = affine_map<(d0, d1) -> (0, 0, 0)>
module attributes {stable_mosaic.version = 14 : i64} {
  func.func @_agg_body(%arg0: i32, %arg1: i32, %arg2: memref<10240x128xf32, #tpu.memory_space<hbm>>, %arg3: memref<32x79x128xi32, #tpu.memory_space<hbm>>, %arg4: memref<32x79x128xi32, #tpu.memory_space<hbm>>, %arg5: memref<2x10240x128xf32, #tpu.memory_space<hbm>>, %arg6: memref<79x128xi32, #tpu.memory_space<vmem>>, %arg7: memref<79x128xi32, #tpu.memory_space<vmem>>, %arg8: memref<128x128xf32, #tpu.memory_space<vmem>>, %arg9: memref<10240x128xf32, #tpu.memory_space<vmem_shared>>, %arg10: memref<!tpu.dma_semaphore, #tpu.memory_space<semaphore_mem>>) attributes {dimension_semantics = [#tpu.dimension_semantics<core_parallel>, #tpu.dimension_semantics<subcore_parallel>], iteration_bounds = array<i64: 2, 16>, scalar_prefetch = 0 : i64, scratch_operands = 5 : i64, tpu.core_type = #tpu.core_type<sc_vector_subcore>, window_params = [{transform_indices = #map}, {transform_indices = #map1}, {transform_indices = #map1}, {transform_indices = #map1}]} {
    %mul3A = arith.constant 16 : i32
    %mul3A_0 = arith.muli %arg0, %mul3A : i32
    %add3A = arith.addi %mul3A_0, %arg1 : i32
    %dma_start3A = arith.constant 0 : i32
    %dma_start3A_1 = arith.constant 0 : i32
    %dma_start3A_2 = tpu.memref_slice %arg3[%add3A, %dma_start3A, %dma_start3A_1] : memref<32x79x128xi32, #tpu.memory_space<hbm>> -> memref<1x79x128xi32, #tpu.memory_space<hbm>>
    %dma_start3A_3 = tpu.memref_squeeze %dma_start3A_2 : memref<1x79x128xi32, #tpu.memory_space<hbm>> -> memref<79x128xi32, #tpu.memory_space<hbm>>
    %dma_start3A_4 = arith.constant 0 : i32
    %dma_start3A_5 = arith.constant 0 : i32
    %dma_start3A_6 = tpu.memref_slice %arg3[%add3A, %dma_start3A_4, %dma_start3A_5] : memref<32x79x128xi32, #tpu.memory_space<hbm>> -> memref<1x79x128xi32, #tpu.memory_space<hbm>>
    %dma_start3A_7 = tpu.memref_squeeze %dma_start3A_6 : memref<1x79x128xi32, #tpu.memory_space<hbm>> -> memref<79x128xi32, #tpu.memory_space<hbm>>
    tpu.enqueue_dma source(%dma_start3A_7 : memref<79x128xi32, #tpu.memory_space<hbm>>) target(%arg6 : memref<79x128xi32, #tpu.memory_space<vmem>>) target_semaphore(%arg10 : memref<!tpu.dma_semaphore, #tpu.memory_space<semaphore_mem>>)
    %dma_start3A_8 = arith.constant 0 : i32
    %dma_start3A_9 = arith.constant 0 : i32
    %dma_start3A_10 = tpu.memref_slice %arg4[%add3A, %dma_start3A_8, %dma_start3A_9] : memref<32x79x128xi32, #tpu.memory_space<hbm>> -> memref<1x79x128xi32, #tpu.memory_space<hbm>>
    %dma_start3A_11 = tpu.memref_squeeze %dma_start3A_10 : memref<1x79x128xi32, #tpu.memory_space<hbm>> -> memref<79x128xi32, #tpu.memory_space<hbm>>
    %dma_start3A_12 = arith.constant 0 : i32
    %dma_start3A_13 = arith.constant 0 : i32
    %dma_start3A_14 = tpu.memref_slice %arg4[%add3A, %dma_start3A_12, %dma_start3A_13] : memref<32x79x128xi32, #tpu.memory_space<hbm>> -> memref<1x79x128xi32, #tpu.memory_space<hbm>>
    %dma_start3A_15 = tpu.memref_squeeze %dma_start3A_14 : memref<1x79x128xi32, #tpu.memory_space<hbm>> -> memref<79x128xi32, #tpu.memory_space<hbm>>
    tpu.enqueue_dma source(%dma_start3A_15 : memref<79x128xi32, #tpu.memory_space<hbm>>) target(%arg7 : memref<79x128xi32, #tpu.memory_space<vmem>>) target_semaphore(%arg10 : memref<!tpu.dma_semaphore, #tpu.memory_space<semaphore_mem>>)
    %scan3A = arith.constant 0 : i32
    %scan3A_16 = arith.constant 128 : i32
    %scan3A_17 = arith.addi %scan3A, %scan3A_16 : i32
    %scan3A_18 = arith.constant 1 : i32
    scf.for %scan3A_65 = %scan3A to %scan3A_17 step %scan3A_18  : i32 {
      %mul3A_66 = arith.constant 1 : i32
      %mul3A_67 = arith.muli %scan3A_65, %mul3A_66 : i32
      %add3A_68 = arith.constant 0 : i32
      %add3A_69 = arith.addi %add3A_68, %mul3A_67 : i32
      %broadcast_in_dim3A = arith.constant 0.000000e+00 : f32
      %broadcast_in_dim3A_70 = vector.broadcast %broadcast_in_dim3A : f32 to vector<16xf32>
      %swap3A = arith.index_cast %add3A_69 : i32 to index
      %swap3A_71 = arith.constant 0 : index
      %swap3A_72 = tpu.vector_load %arg8[%swap3A, %swap3A_71] {strides = array<i32>} : memref<128x128xf32, #tpu.memory_space<vmem>>, vector<1x16xf32>,
      %swap3A_73 = vector.shape_cast %swap3A_72 : vector<1x16xf32> to vector<16xf32>
      %swap3A_74 = vector.shape_cast %broadcast_in_dim3A_70 : vector<16xf32> to vector<1x16xf32>
      tpu.vector_store %arg8[%swap3A, %swap3A_71], %swap3A_74 {strides = array<i32>} : memref<128x128xf32, #tpu.memory_space<vmem>>, vector<1x16xf32>,
      %broadcast_in_dim3A_75 = arith.constant 0.000000e+00 : f32
      %broadcast_in_dim3A_76 = vector.broadcast %broadcast_in_dim3A_75 : f32 to vector<16xf32>
      %swap3A_77 = arith.index_cast %add3A_69 : i32 to index
      %swap3A_78 = arith.constant 16 : index
      %swap3A_79 = tpu.vector_load %arg8[%swap3A_77, %swap3A_78] {strides = array<i32>} : memref<128x128xf32, #tpu.memory_space<vmem>>, vector<1x16xf32>,
      %swap3A_80 = vector.shape_cast %swap3A_79 : vector<1x16xf32> to vector<16xf32>
      %swap3A_81 = vector.shape_cast %broadcast_in_dim3A_76 : vector<16xf32> to vector<1x16xf32>
      tpu.vector_store %arg8[%swap3A_77, %swap3A_78], %swap3A_81 {strides = array<i32>} : memref<128x128xf32, #tpu.memory_space<vmem>>, vector<1x16xf32>,
      %broadcast_in_dim3A_82 = arith.constant 0.000000e+00 : f32
      %broadcast_in_dim3A_83 = vector.broadcast %broadcast_in_dim3A_82 : f32 to vector<16xf32>
      %swap3A_84 = arith.index_cast %add3A_69 : i32 to index
      %swap3A_85 = arith.constant 32 : index
      %swap3A_86 = tpu.vector_load %arg8[%swap3A_84, %swap3A_85] {strides = array<i32>} : memref<128x128xf32, #tpu.memory_space<vmem>>, vector<1x16xf32>,
      %swap3A_87 = vector.shape_cast %swap3A_86 : vector<1x16xf32> to vector<16xf32>
      %swap3A_88 = vector.shape_cast %broadcast_in_dim3A_83 : vector<16xf32> to vector<1x16xf32>
      tpu.vector_store %arg8[%swap3A_84, %swap3A_85], %swap3A_88 {strides = array<i32>} : memref<128x128xf32, #tpu.memory_space<vmem>>, vector<1x16xf32>,
      %broadcast_in_dim3A_89 = arith.constant 0.000000e+00 : f32
      %broadcast_in_dim3A_90 = vector.broadcast %broadcast_in_dim3A_89 : f32 to vector<16xf32>
      %swap3A_91 = arith.index_cast %add3A_69 : i32 to index
      %swap3A_92 = arith.constant 48 : index
      %swap3A_93 = tpu.vector_load %arg8[%swap3A_91, %swap3A_92] {strides = array<i32>} : memref<128x128xf32, #tpu.memory_space<vmem>>, vector<1x16xf32>,
      %swap3A_94 = vector.shape_cast %swap3A_93 : vector<1x16xf32> to vector<16xf32>
      %swap3A_95 = vector.shape_cast %broadcast_in_dim3A_90 : vector<16xf32> to vector<1x16xf32>
      tpu.vector_store %arg8[%swap3A_91, %swap3A_92], %swap3A_95 {strides = array<i32>} : memref<128x128xf32, #tpu.memory_space<vmem>>, vector<1x16xf32>,
      %broadcast_in_dim3A_96 = arith.constant 0.000000e+00 : f32
      %broadcast_in_dim3A_97 = vector.broadcast %broadcast_in_dim3A_96 : f32 to vector<16xf32>
      %swap3A_98 = arith.index_cast %add3A_69 : i32 to index
      %swap3A_99 = arith.constant 64 : index
      %swap3A_100 = tpu.vector_load %arg8[%swap3A_98, %swap3A_99] {strides = array<i32>} : memref<128x128xf32, #tpu.memory_space<vmem>>, vector<1x16xf32>,
      %swap3A_101 = vector.shape_cast %swap3A_100 : vector<1x16xf32> to vector<16xf32>
      %swap3A_102 = vector.shape_cast %broadcast_in_dim3A_97 : vector<16xf32> to vector<1x16xf32>
      tpu.vector_store %arg8[%swap3A_98, %swap3A_99], %swap3A_102 {strides = array<i32>} : memref<128x128xf32, #tpu.memory_space<vmem>>, vector<1x16xf32>,
      %broadcast_in_dim3A_103 = arith.constant 0.000000e+00 : f32
      %broadcast_in_dim3A_104 = vector.broadcast %broadcast_in_dim3A_103 : f32 to vector<16xf32>
      %swap3A_105 = arith.index_cast %add3A_69 : i32 to index
      %swap3A_106 = arith.constant 80 : index
      %swap3A_107 = tpu.vector_load %arg8[%swap3A_105, %swap3A_106] {strides = array<i32>} : memref<128x128xf32, #tpu.memory_space<vmem>>, vector<1x16xf32>,
      %swap3A_108 = vector.shape_cast %swap3A_107 : vector<1x16xf32> to vector<16xf32>
      %swap3A_109 = vector.shape_cast %broadcast_in_dim3A_104 : vector<16xf32> to vector<1x16xf32>
      tpu.vector_store %arg8[%swap3A_105, %swap3A_106], %swap3A_109 {strides = array<i32>} : memref<128x128xf32, #tpu.memory_space<vmem>>, vector<1x16xf32>,
      %broadcast_in_dim3A_110 = arith.constant 0.000000e+00 : f32
      %broadcast_in_dim3A_111 = vector.broadcast %broadcast_in_dim3A_110 : f32 to vector<16xf32>
      %swap3A_112 = arith.index_cast %add3A_69 : i32 to index
      %swap3A_113 = arith.constant 96 : index
      %swap3A_114 = tpu.vector_load %arg8[%swap3A_112, %swap3A_113] {strides = array<i32>} : memref<128x128xf32, #tpu.memory_space<vmem>>, vector<1x16xf32>,
      %swap3A_115 = vector.shape_cast %swap3A_114 : vector<1x16xf32> to vector<16xf32>
      %swap3A_116 = vector.shape_cast %broadcast_in_dim3A_111 : vector<16xf32> to vector<1x16xf32>
      tpu.vector_store %arg8[%swap3A_112, %swap3A_113], %swap3A_116 {strides = array<i32>} : memref<128x128xf32, #tpu.memory_space<vmem>>, vector<1x16xf32>,
      %broadcast_in_dim3A_117 = arith.constant 0.000000e+00 : f32
      %broadcast_in_dim3A_118 = vector.broadcast %broadcast_in_dim3A_117 : f32 to vector<16xf32>
      %swap3A_119 = arith.index_cast %add3A_69 : i32 to index
      %swap3A_120 = arith.constant 112 : index
      %swap3A_121 = tpu.vector_load %arg8[%swap3A_119, %swap3A_120] {strides = array<i32>} : memref<128x128xf32, #tpu.memory_space<vmem>>, vector<1x16xf32>,
      %swap3A_122 = vector.shape_cast %swap3A_121 : vector<1x16xf32> to vector<16xf32>
      %swap3A_123 = vector.shape_cast %broadcast_in_dim3A_118 : vector<16xf32> to vector<1x16xf32>
      tpu.vector_store %arg8[%swap3A_119, %swap3A_120], %swap3A_123 {strides = array<i32>} : memref<128x128xf32, #tpu.memory_space<vmem>>, vector<1x16xf32>,
    }
    %scan3A_19 = arith.constant 128 : i32
    %mul3A_20 = arith.constant 640 : i32
    %mul3A_21 = arith.muli %arg1, %mul3A_20 : i32
    %add3A_22 = arith.constant 0 : i32
    %add3A_23 = arith.addi %mul3A_21, %add3A_22 : i32
    "tpu.region"() ({
      %run_scoped3A = tpu.sem_alloc : memref<!tpu.dma_semaphore, #tpu.memory_space<semaphore_mem>>
      %dma_start3A_65 = arith.constant 0 : i32
      %dma_start3A_66 = tpu.memref_slice %arg9[%add3A_23, %dma_start3A_65] : memref<10240x128xf32, #tpu.memory_space<vmem_shared>> -> memref<128x128xf32, #tpu.memory_space<vmem_shared>>
      %dma_start3A_67 = arith.constant 0 : i32
      %dma_start3A_68 = tpu.memref_slice %arg9[%add3A_23, %dma_start3A_67] : memref<10240x128xf32, #tpu.memory_space<vmem_shared>> -> memref<128x128xf32, #tpu.memory_space<vmem_shared>>
      tpu.enqueue_dma source(%arg8 : memref<128x128xf32, #tpu.memory_space<vmem>>) target(%dma_start3A_68 : memref<128x128xf32, #tpu.memory_space<vmem_shared>>) target_semaphore(%run_scoped3A : memref<!tpu.dma_semaphore, #tpu.memory_space<semaphore_mem>>)
      %dma_wait3A_69 = arith.constant 0 : i32
      %dma_wait3A_70 = tpu.memref_slice %arg9[%add3A_23, %dma_wait3A_69] : memref<10240x128xf32, #tpu.memory_space<vmem_shared>> -> memref<128x128xf32, #tpu.memory_space<vmem_shared>>
      %dma_wait3A_71 = arith.constant 0 : i32
      %dma_wait3A_72 = tpu.memref_slice %arg9[%add3A_23, %dma_wait3A_71] : memref<10240x128xf32, #tpu.memory_space<vmem_shared>> -> memref<128x128xf32, #tpu.memory_space<vmem_shared>>
      tpu.wait_dma2 semaphore(%run_scoped3A : memref<!tpu.dma_semaphore, #tpu.memory_space<semaphore_mem>>) src(%arg8 : memref<128x128xf32, #tpu.memory_space<vmem>>) dst(%dma_wait3A_72 : memref<128x128xf32, #tpu.memory_space<vmem_shared>>)
      tpu.yield
    }) : () -> ()
    %mul3A_24 = arith.constant 640 : i32
    %mul3A_25 = arith.muli %arg1, %mul3A_24 : i32
    %add3A_26 = arith.constant 128 : i32
    %add3A_27 = arith.addi %mul3A_25, %add3A_26 : i32
    "tpu.region"() ({
      %run_scoped3A = tpu.sem_alloc : memref<!tpu.dma_semaphore, #tpu.memory_space<semaphore_mem>>
      %dma_start3A_65 = arith.constant 0 : i32
      %dma_start3A_66 = tpu.memref_slice %arg9[%add3A_27, %dma_start3A_65] : memref<10240x128xf32, #tpu.memory_space<vmem_shared>> -> memref<128x128xf32, #tpu.memory_space<vmem_shared>>
      %dma_start3A_67 = arith.constant 0 : i32
      %dma_start3A_68 = tpu.memref_slice %arg9[%add3A_27, %dma_start3A_67] : memref<10240x128xf32, #tpu.memory_space<vmem_shared>> -> memref<128x128xf32, #tpu.memory_space<vmem_shared>>
      tpu.enqueue_dma source(%arg8 : memref<128x128xf32, #tpu.memory_space<vmem>>) target(%dma_start3A_68 : memref<128x128xf32, #tpu.memory_space<vmem_shared>>) target_semaphore(%run_scoped3A : memref<!tpu.dma_semaphore, #tpu.memory_space<semaphore_mem>>)
      %dma_wait3A_69 = arith.constant 0 : i32
      %dma_wait3A_70 = tpu.memref_slice %arg9[%add3A_27, %dma_wait3A_69] : memref<10240x128xf32, #tpu.memory_space<vmem_shared>> -> memref<128x128xf32, #tpu.memory_space<vmem_shared>>
      %dma_wait3A_71 = arith.constant 0 : i32
      %dma_wait3A_72 = tpu.memref_slice %arg9[%add3A_27, %dma_wait3A_71] : memref<10240x128xf32, #tpu.memory_space<vmem_shared>> -> memref<128x128xf32, #tpu.memory_space<vmem_shared>>
      tpu.wait_dma2 semaphore(%run_scoped3A : memref<!tpu.dma_semaphore, #tpu.memory_space<semaphore_mem>>) src(%arg8 : memref<128x128xf32, #tpu.memory_space<vmem>>) dst(%dma_wait3A_72 : memref<128x128xf32, #tpu.memory_space<vmem_shared>>)
      tpu.yield
    }) : () -> ()
    %mul3A_28 = arith.constant 640 : i32
    %mul3A_29 = arith.muli %arg1, %mul3A_28 : i32
    %add3A_30 = arith.constant 256 : i32
    %add3A_31 = arith.addi %mul3A_29, %add3A_30 : i32
    "tpu.region"() ({
      %run_scoped3A = tpu.sem_alloc : memref<!tpu.dma_semaphore, #tpu.memory_space<semaphore_mem>>
      %dma_start3A_65 = arith.constant 0 : i32
      %dma_start3A_66 = tpu.memref_slice %arg9[%add3A_31, %dma_start3A_65] : memref<10240x128xf32, #tpu.memory_space<vmem_shared>> -> memref<128x128xf32, #tpu.memory_space<vmem_shared>>
      %dma_start3A_67 = arith.constant 0 : i32
      %dma_start3A_68 = tpu.memref_slice %arg9[%add3A_31, %dma_start3A_67] : memref<10240x128xf32, #tpu.memory_space<vmem_shared>> -> memref<128x128xf32, #tpu.memory_space<vmem_shared>>
      tpu.enqueue_dma source(%arg8 : memref<128x128xf32, #tpu.memory_space<vmem>>) target(%dma_start3A_68 : memref<128x128xf32, #tpu.memory_space<vmem_shared>>) target_semaphore(%run_scoped3A : memref<!tpu.dma_semaphore, #tpu.memory_space<semaphore_mem>>)
      %dma_wait3A_69 = arith.constant 0 : i32
      %dma_wait3A_70 = tpu.memref_slice %arg9[%add3A_31, %dma_wait3A_69] : memref<10240x128xf32, #tpu.memory_space<vmem_shared>> -> memref<128x128xf32, #tpu.memory_space<vmem_shared>>
      %dma_wait3A_71 = arith.constant 0 : i32
      %dma_wait3A_72 = tpu.memref_slice %arg9[%add3A_31, %dma_wait3A_71] : memref<10240x128xf32, #tpu.memory_space<vmem_shared>> -> memref<128x128xf32, #tpu.memory_space<vmem_shared>>
      tpu.wait_dma2 semaphore(%run_scoped3A : memref<!tpu.dma_semaphore, #tpu.memory_space<semaphore_mem>>) src(%arg8 : memref<128x128xf32, #tpu.memory_space<vmem>>) dst(%dma_wait3A_72 : memref<128x128xf32, #tpu.memory_space<vmem_shared>>)
      tpu.yield
    }) : () -> ()
    %mul3A_32 = arith.constant 640 : i32
    %mul3A_33 = arith.muli %arg1, %mul3A_32 : i32
    %add3A_34 = arith.constant 384 : i32
    %add3A_35 = arith.addi %mul3A_33, %add3A_34 : i32
    "tpu.region"() ({
      %run_scoped3A = tpu.sem_alloc : memref<!tpu.dma_semaphore, #tpu.memory_space<semaphore_mem>>
      %dma_start3A_65 = arith.constant 0 : i32
      %dma_start3A_66 = tpu.memref_slice %arg9[%add3A_35, %dma_start3A_65] : memref<10240x128xf32, #tpu.memory_space<vmem_shared>> -> memref<128x128xf32, #tpu.memory_space<vmem_shared>>
      %dma_start3A_67 = arith.constant 0 : i32
      %dma_start3A_68 = tpu.memref_slice %arg9[%add3A_35, %dma_start3A_67] : memref<10240x128xf32, #tpu.memory_space<vmem_shared>> -> memref<128x128xf32, #tpu.memory_space<vmem_shared>>
      tpu.enqueue_dma source(%arg8 : memref<128x128xf32, #tpu.memory_space<vmem>>) target(%dma_start3A_68 : memref<128x128xf32, #tpu.memory_space<vmem_shared>>) target_semaphore(%run_scoped3A : memref<!tpu.dma_semaphore, #tpu.memory_space<semaphore_mem>>)
      %dma_wait3A_69 = arith.constant 0 : i32
      %dma_wait3A_70 = tpu.memref_slice %arg9[%add3A_35, %dma_wait3A_69] : memref<10240x128xf32, #tpu.memory_space<vmem_shared>> -> memref<128x128xf32, #tpu.memory_space<vmem_shared>>
      %dma_wait3A_71 = arith.constant 0 : i32
      %dma_wait3A_72 = tpu.memref_slice %arg9[%add3A_35, %dma_wait3A_71] : memref<10240x128xf32, #tpu.memory_space<vmem_shared>> -> memref<128x128xf32, #tpu.memory_space<vmem_shared>>
      tpu.wait_dma2 semaphore(%run_scoped3A : memref<!tpu.dma_semaphore, #tpu.memory_space<semaphore_mem>>) src(%arg8 : memref<128x128xf32, #tpu.memory_space<vmem>>) dst(%dma_wait3A_72 : memref<128x128xf32, #tpu.memory_space<vmem_shared>>)
      tpu.yield
    }) : () -> ()
    %mul3A_36 = arith.constant 640 : i32
    %mul3A_37 = arith.muli %arg1, %mul3A_36 : i32
    %add3A_38 = arith.constant 512 : i32
    %add3A_39 = arith.addi %mul3A_37, %add3A_38 : i32
    "tpu.region"() ({
      %run_scoped3A = tpu.sem_alloc : memref<!tpu.dma_semaphore, #tpu.memory_space<semaphore_mem>>
      %dma_start3A_65 = arith.constant 0 : i32
      %dma_start3A_66 = tpu.memref_slice %arg9[%add3A_39, %dma_start3A_65] : memref<10240x128xf32, #tpu.memory_space<vmem_shared>> -> memref<128x128xf32, #tpu.memory_space<vmem_shared>>
      %dma_start3A_67 = arith.constant 0 : i32
      %dma_start3A_68 = tpu.memref_slice %arg9[%add3A_39, %dma_start3A_67] : memref<10240x128xf32, #tpu.memory_space<vmem_shared>> -> memref<128x128xf32, #tpu.memory_space<vmem_shared>>
      tpu.enqueue_dma source(%arg8 : memref<128x128xf32, #tpu.memory_space<vmem>>) target(%dma_start3A_68 : memref<128x128xf32, #tpu.memory_space<vmem_shared>>) target_semaphore(%run_scoped3A : memref<!tpu.dma_semaphore, #tpu.memory_space<semaphore_mem>>)
      %dma_wait3A_69 = arith.constant 0 : i32
      %dma_wait3A_70 = tpu.memref_slice %arg9[%add3A_39, %dma_wait3A_69] : memref<10240x128xf32, #tpu.memory_space<vmem_shared>> -> memref<128x128xf32, #tpu.memory_space<vmem_shared>>
      %dma_wait3A_71 = arith.constant 0 : i32
      %dma_wait3A_72 = tpu.memref_slice %arg9[%add3A_39, %dma_wait3A_71] : memref<10240x128xf32, #tpu.memory_space<vmem_shared>> -> memref<128x128xf32, #tpu.memory_space<vmem_shared>>
      tpu.wait_dma2 semaphore(%run_scoped3A : memref<!tpu.dma_semaphore, #tpu.memory_space<semaphore_mem>>) src(%arg8 : memref<128x128xf32, #tpu.memory_space<vmem>>) dst(%dma_wait3A_72 : memref<128x128xf32, #tpu.memory_space<vmem_shared>>)
      tpu.yield
    }) : () -> ()
    %dma_wait3A = arith.constant 0 : i32
    %dma_wait3A_40 = arith.constant 0 : i32
    %dma_wait3A_41 = tpu.memref_slice %arg3[%add3A, %dma_wait3A, %dma_wait3A_40] : memref<32x79x128xi32, #tpu.memory_space<hbm>> -> memref<1x79x128xi32, #tpu.memory_space<hbm>>
    %dma_wait3A_42 = tpu.memref_squeeze %dma_wait3A_41 : memref<1x79x128xi32, #tpu.memory_space<hbm>> -> memref<79x128xi32, #tpu.memory_space<hbm>>
    %dma_wait3A_43 = arith.constant 0 : i32
    %dma_wait3A_44 = arith.constant 0 : i32
    %dma_wait3A_45 = tpu.memref_slice %arg3[%add3A, %dma_wait3A_43, %dma_wait3A_44] : memref<32x79x128xi32, #tpu.memory_space<hbm>> -> memref<1x79x128xi32, #tpu.memory_space<hbm>>
    %dma_wait3A_46 = tpu.memref_squeeze %dma_wait3A_45 : memref<1x79x128xi32, #tpu.memory_space<hbm>> -> memref<79x128xi32, #tpu.memory_space<hbm>>
    tpu.wait_dma2 semaphore(%arg10 : memref<!tpu.dma_semaphore, #tpu.memory_space<semaphore_mem>>) src(%dma_wait3A_46 : memref<79x128xi32, #tpu.memory_space<hbm>>) dst(%arg6 : memref<79x128xi32, #tpu.memory_space<vmem>>)
    %dma_wait3A_47 = arith.constant 0 : i32
    %dma_wait3A_48 = arith.constant 0 : i32
    %dma_wait3A_49 = tpu.memref_slice %arg4[%add3A, %dma_wait3A_47, %dma_wait3A_48] : memref<32x79x128xi32, #tpu.memory_space<hbm>> -> memref<1x79x128xi32, #tpu.memory_space<hbm>>
    %dma_wait3A_50 = tpu.memref_squeeze %dma_wait3A_49 : memref<1x79x128xi32, #tpu.memory_space<hbm>> -> memref<79x128xi32, #tpu.memory_space<hbm>>
    %dma_wait3A_51 = arith.constant 0 : i32
    %dma_wait3A_52 = arith.constant 0 : i32
    %dma_wait3A_53 = tpu.memref_slice %arg4[%add3A, %dma_wait3A_51, %dma_wait3A_52] : memref<32x79x128xi32, #tpu.memory_space<hbm>> -> memref<1x79x128xi32, #tpu.memory_space<hbm>>
    %dma_wait3A_54 = tpu.memref_squeeze %dma_wait3A_53 : memref<1x79x128xi32, #tpu.memory_space<hbm>> -> memref<79x128xi32, #tpu.memory_space<hbm>>
    tpu.wait_dma2 semaphore(%arg10 : memref<!tpu.dma_semaphore, #tpu.memory_space<semaphore_mem>>) src(%dma_wait3A_54 : memref<79x128xi32, #tpu.memory_space<hbm>>) dst(%arg7 : memref<79x128xi32, #tpu.memory_space<vmem>>)
    %barrier3A = arith.constant 0 : index
    tpu.barrier barrier_id(%barrier3A)
    %scan3A_55 = arith.constant 0 : i32
    %scan3A_56 = arith.constant 79 : i32
    %scan3A_57 = arith.addi %scan3A_55, %scan3A_56 : i32
    %scan3A_58 = arith.constant 1 : i32
    scf.for %scan3A_65 = %scan3A_55 to %scan3A_57 step %scan3A_58  : i32 {
      %dma_start3A_66 = arith.constant 0 : i32
      %dma_start3A_67 = tpu.memref_slice %arg6[%scan3A_65, %dma_start3A_66] : memref<79x128xi32, #tpu.memory_space<vmem>> -> memref<1x128xi32, #tpu.memory_space<vmem>>
      %dma_start3A_68 = tpu.memref_squeeze %dma_start3A_67 : memref<1x128xi32, #tpu.memory_space<vmem>> -> memref<128xi32, #tpu.memory_space<vmem>>
      %dma_start3A_69 = arith.constant 0 : i32
      %dma_start3A_70 = arith.constant 0 : i32
      %dma_start3A_71 = tpu.memref_slice %arg2[%dma_start3A_69, %dma_start3A_70] : memref<10240x128xf32, #tpu.memory_space<hbm>> -> memref<10240x128xf32, #tpu.memory_space<hbm>>
      tpu.enqueue_indirect_dma source(%dma_start3A_71 : memref<10240x128xf32, #tpu.memory_space<hbm>>) target(%arg8 : memref<128x128xf32, #tpu.memory_space<vmem>>) offsets(%dma_start3A_68 : memref<128xi32, #tpu.memory_space<vmem>>) semaphore(%arg10 : memref<!tpu.dma_semaphore, #tpu.memory_space<semaphore_mem>>)
      %dma_wait3A_72 = arith.constant 0 : i32
      %dma_wait3A_73 = tpu.memref_slice %arg6[%scan3A_65, %dma_wait3A_72] : memref<79x128xi32, #tpu.memory_space<vmem>> -> memref<1x128xi32, #tpu.memory_space<vmem>>
      %dma_wait3A_74 = tpu.memref_squeeze %dma_wait3A_73 : memref<1x128xi32, #tpu.memory_space<vmem>> -> memref<128xi32, #tpu.memory_space<vmem>>
      %dma_wait3A_75 = arith.constant 0 : i32
      %dma_wait3A_76 = arith.constant 0 : i32
      %dma_wait3A_77 = tpu.memref_slice %arg2[%dma_wait3A_75, %dma_wait3A_76] : memref<10240x128xf32, #tpu.memory_space<hbm>> -> memref<10240x128xf32, #tpu.memory_space<hbm>>
      tpu.wait_indirect_dma semaphore(%arg10 : memref<!tpu.dma_semaphore, #tpu.memory_space<semaphore_mem>>) src(%dma_wait3A_77 : memref<10240x128xf32, #tpu.memory_space<hbm>>) dst(%arg8 : memref<128x128xf32, #tpu.memory_space<vmem>>)
      "tpu.region"() ({
        %run_scoped3A = tpu.sem_alloc : memref<!tpu.dma_semaphore, #tpu.memory_space<semaphore_mem>>
        %dma_start3A_78 = arith.constant 0 : i32
        %dma_start3A_79 = tpu.memref_slice %arg7[%scan3A_65, %dma_start3A_78] : memref<79x128xi32, #tpu.memory_space<vmem>> -> memref<1x128xi32, #tpu.memory_space<vmem>>
        %dma_start3A_80 = tpu.memref_squeeze %dma_start3A_79 : memref<1x128xi32, #tpu.memory_space<vmem>> -> memref<128xi32, #tpu.memory_space<vmem>>
        %dma_start3A_81 = arith.constant 0 : i32
        %dma_start3A_82 = arith.constant 0 : i32
        %dma_start3A_83 = tpu.memref_slice %arg9[%dma_start3A_81, %dma_start3A_82] : memref<10240x128xf32, #tpu.memory_space<vmem_shared>> -> memref<10240x128xf32, #tpu.memory_space<vmem_shared>>
        tpu.enqueue_indirect_dma source(%arg8 : memref<128x128xf32, #tpu.memory_space<vmem>>) target(%dma_start3A_83 : memref<10240x128xf32, #tpu.memory_space<vmem_shared>>) offsets(%dma_start3A_80 : memref<128xi32, #tpu.memory_space<vmem>>) semaphore(%run_scoped3A : memref<!tpu.dma_semaphore, #tpu.memory_space<semaphore_mem>>) {add = true}
        %dma_wait3A_84 = arith.constant 0 : i32
        %dma_wait3A_85 = tpu.memref_slice %arg7[%scan3A_65, %dma_wait3A_84] : memref<79x128xi32, #tpu.memory_space<vmem>> -> memref<1x128xi32, #tpu.memory_space<vmem>>
        %dma_wait3A_86 = tpu.memref_squeeze %dma_wait3A_85 : memref<1x128xi32, #tpu.memory_space<vmem>> -> memref<128xi32, #tpu.memory_space<vmem>>
        %dma_wait3A_87 = arith.constant 0 : i32
        %dma_wait3A_88 = arith.constant 0 : i32
        %dma_wait3A_89 = tpu.memref_slice %arg9[%dma_wait3A_87, %dma_wait3A_88] : memref<10240x128xf32, #tpu.memory_space<vmem_shared>> -> memref<10240x128xf32, #tpu.memory_space<vmem_shared>>
        tpu.wait_indirect_dma semaphore(%run_scoped3A : memref<!tpu.dma_semaphore, #tpu.memory_space<semaphore_mem>>) src(%arg8 : memref<128x128xf32, #tpu.memory_space<vmem>>) dst(%dma_wait3A_89 : memref<10240x128xf32, #tpu.memory_space<vmem_shared>>)
        tpu.yield
      }) : () -> ()
    }
    %scan3A_59 = arith.constant 79 : i32
    %barrier3A_60 = arith.constant 0 : index
    tpu.barrier barrier_id(%barrier3A_60)
    %mul3A_61 = arith.constant 640 : i32
    %mul3A_62 = arith.muli %arg1, %mul3A_61 : i32
    %mul3A_63 = arith.constant 640 : i32
    %mul3A_64 = arith.muli %arg1, %mul3A_63 : i32
    "tpu.region"() ({
      %run_scoped3A = tpu.sem_alloc : memref<!tpu.dma_semaphore, #tpu.memory_space<semaphore_mem>>
      %dma_start3A_65 = arith.constant 0 : i32
      %dma_start3A_66 = tpu.memref_slice %arg5[%arg0, %mul3A_64, %dma_start3A_65] : memref<2x10240x128xf32, #tpu.memory_space<hbm>> -> memref<1x640x128xf32, #tpu.memory_space<hbm>>
      %dma_start3A_67 = tpu.memref_squeeze %dma_start3A_66 : memref<1x640x128xf32, #tpu.memory_space<hbm>> -> memref<640x128xf32, #tpu.memory_space<hbm>>
      %dma_start3A_68 = arith.constant 0 : i32
      %dma_start3A_69 = tpu.memref_slice %arg9[%mul3A_62, %dma_start3A_68] : memref<10240x128xf32, #tpu.memory_space<vmem_shared>> -> memref<640x128xf32, #tpu.memory_space<vmem_shared>>
      tpu.enqueue_dma source(%dma_start3A_69 : memref<640x128xf32, #tpu.memory_space<vmem_shared>>) target(%dma_start3A_67 : memref<640x128xf32, #tpu.memory_space<hbm>>) target_semaphore(%run_scoped3A : memref<!tpu.dma_semaphore, #tpu.memory_space<semaphore_mem>>)
      %dma_wait3A_70 = arith.constant 0 : i32
      %dma_wait3A_71 = tpu.memref_slice %arg5[%arg0, %mul3A_64, %dma_wait3A_70] : memref<2x10240x128xf32, #tpu.memory_space<hbm>> -> memref<1x640x128xf32, #tpu.memory_space<hbm>>
      %dma_wait3A_72 = tpu.memref_squeeze %dma_wait3A_71 : memref<1x640x128xf32, #tpu.memory_space<hbm>> -> memref<640x128xf32, #tpu.memory_space<hbm>>
      %dma_wait3A_73 = arith.constant 0 : i32
      %dma_wait3A_74 = tpu.memref_slice %arg9[%mul3A_62, %dma_wait3A_73] : memref<10240x128xf32, #tpu.memory_space<vmem_shared>> -> memref<640x128xf32, #tpu.memory_space<vmem_shared>>
      tpu.wait_dma2 semaphore(%run_scoped3A : memref<!tpu.dma_semaphore, #tpu.memory_space<semaphore_mem>>) src(%dma_wait3A_74 : memref<640x128xf32, #tpu.memory_space<vmem_shared>>) dst(%dma_wait3A_72 : memref<640x128xf32, #tpu.memory_space<hbm>>)
      tpu.yield
    }) : () -> ()
    return
  }
}

module attributes {stable_mosaic.version = 14 : i64} {
  func.func @_mm_scale_body(%arg0: i32, %arg1: memref<640x128xf32, #tpu.memory_space<vmem>>, %arg2: memref<128x128xf32, #tpu.memory_space<vmem>>, %arg3: memref<640x1xf32, #tpu.memory_space<vmem>>, %arg4: memref<640x1xf32, #tpu.memory_space<vmem>>, %arg5: memref<640x128xf32, #tpu.memory_space<vmem>>) attributes {dimension_semantics = [#tpu.dimension_semantics<arbitrary>], iteration_bounds = array<i64: 16>, scalar_prefetch = 0 : i64, scratch_operands = 0 : i64, tpu.core_type = #tpu.core_type<tc>, window_params = [{transform_indices = @transform_0, window_bounds = array<i64: 640, 128>}, {pipeline_mode = #tpu.pipeline_mode<synchronous>, transform_indices = @transform_1, window_bounds = array<i64: 128, 128>}, {transform_indices = @transform_2, window_bounds = array<i64: 640, 1>}, {transform_indices = @transform_3, window_bounds = array<i64: 640, 1>}, {transform_indices = @transform_4, window_bounds = array<i64: 640, 128>}]} {
    %get3A = arith.constant 0 : index
    %get3A_0 = arith.constant 0 : index
    %get3A_1 = vector.load %arg3[%get3A, %get3A_0] : memref<640x1xf32, #tpu.memory_space<vmem>>, vector<640x1xf32>
    %get3A_2 = arith.constant 0 : index
    %get3A_3 = arith.constant 0 : index
    %get3A_4 = vector.load %arg4[%get3A_2, %get3A_3] : memref<640x1xf32, #tpu.memory_space<vmem>>, vector<640x1xf32>
    %add3A = arith.addf %get3A_1, %get3A_4 : vector<640x1xf32>
    %add3A_5 = arith.constant 1.000000e+00 : f32
    %add3A_6 = vector.broadcast %add3A_5 : f32 to vector<640x1xf32>
    %add3A_7 = arith.addf %add3A, %add3A_6 : vector<640x1xf32>
    %rsqrt3A = math.rsqrt %add3A_7 : vector<640x1xf32>
    %get3A_8 = arith.constant 0 : index
    %get3A_9 = arith.constant 0 : index
    %get3A_10 = vector.load %arg1[%get3A_8, %get3A_9] : memref<640x128xf32, #tpu.memory_space<vmem>>, vector<640x128xf32>
    %get3A_11 = arith.constant 0 : index
    %get3A_12 = arith.constant 0 : index
    %get3A_13 = vector.load %arg2[%get3A_11, %get3A_12] : memref<128x128xf32, #tpu.memory_space<vmem>>, vector<128x128xf32>
    %dot_general3A = arith.constant dense<0.000000e+00> : vector<640x128xf32>
    %dot_general3A_14 = tpu.matmul %get3A_10, %get3A_13, %dot_general3A {dimension_numbers = #tpu.dot_dimension_numbers<[1], [0], [0], [1], [0, 0, 1, 1], [], []>, transpose_lhs_hint = false} : vector<640x128xf32>, vector<128x128xf32>, vector<640x128xf32> -> vector<640x128xf32>
    %mul3A = vector.broadcast %rsqrt3A : vector<640x1xf32> to vector<640x128xf32>
    %mul3A_15 = arith.mulf %dot_general3A_14, %mul3A : vector<640x128xf32>
    %swap3A = arith.constant 0 : index
    %swap3A_16 = arith.constant 0 : index
    %swap3A_17 = vector.load %arg5[%swap3A, %swap3A_16] : memref<640x128xf32, #tpu.memory_space<vmem>>, vector<640x128xf32>
    tpu.vector_store %arg5[%swap3A, %swap3A_16], %mul3A_15 {strides = array<i32>} : memref<640x128xf32, #tpu.memory_space<vmem>>, vector<640x128xf32>,
    return
  }
  func.func @transform_0(%arg0: i32) -> (i32, i32) {
    %c0_i32 = arith.constant 0 : i32
    %c0_i32_0 = arith.constant 0 : i32
    return %arg0, %c0_i32 : i32, i32
  }
  func.func @transform_1(%arg0: i32) -> (i32, i32) {
    %c0_i32 = arith.constant 0 : i32
    %c0_i32_0 = arith.constant 0 : i32
    %c0_i32_1 = arith.constant 0 : i32
    return %c0_i32, %c0_i32_0 : i32, i32
  }
  func.func @transform_2(%arg0: i32) -> (i32, i32) {
    %c0_i32 = arith.constant 0 : i32
    %c0_i32_0 = arith.constant 0 : i32
    return %arg0, %c0_i32 : i32, i32
  }
  func.func @transform_3(%arg0: i32) -> (i32, i32) {
    %c0_i32 = arith.constant 0 : i32
    %c0_i32_0 = arith.constant 0 : i32
    return %arg0, %c0_i32 : i32, i32
  }
  func.func @transform_4(%arg0: i32) -> (i32, i32) {
    %c0_i32 = arith.constant 0 : i32
    %c0_i32_0 = arith.constant 0 : i32
    return %arg0, %c0_i32 : i32, i32
  }
}

module attributes {stable_mosaic.version = 14 : i64} {
  func.func @_mid_body(%arg0: i32, %arg1: memref<640x128xf32, #tpu.memory_space<vmem>>, %arg2: memref<640x128xf32, #tpu.memory_space<vmem>>, %arg3: memref<640x128xf32, #tpu.memory_space<vmem>>, %arg4: memref<640x1xf32, #tpu.memory_space<vmem>>, %arg5: memref<640x1xf32, #tpu.memory_space<vmem>>, %arg6: memref<1x128xf32, #tpu.memory_space<vmem>>, %arg7: memref<128x128xf32, #tpu.memory_space<vmem>>, %arg8: memref<640x128xf32, #tpu.memory_space<vmem>>) attributes {dimension_semantics = [#tpu.dimension_semantics<arbitrary>], iteration_bounds = array<i64: 16>, scalar_prefetch = 0 : i64, scratch_operands = 0 : i64, tpu.core_type = #tpu.core_type<tc>, window_params = [{transform_indices = @transform_0, window_bounds = array<i64: 640, 128>}, {transform_indices = @transform_1, window_bounds = array<i64: 640, 128>}, {transform_indices = @transform_2, window_bounds = array<i64: 640, 128>}, {transform_indices = @transform_3, window_bounds = array<i64: 640, 1>}, {transform_indices = @transform_4, window_bounds = array<i64: 640, 1>}, {pipeline_mode = #tpu.pipeline_mode<synchronous>, transform_indices = @transform_5, window_bounds = array<i64: 1, 128>}, {pipeline_mode = #tpu.pipeline_mode<synchronous>, transform_indices = @transform_6, window_bounds = array<i64: 128, 128>}, {transform_indices = @transform_7, window_bounds = array<i64: 640, 128>}]} {
    %get3A = arith.constant 0 : index
    %get3A_0 = arith.constant 0 : index
    %get3A_1 = vector.load %arg4[%get3A, %get3A_0] : memref<640x1xf32, #tpu.memory_space<vmem>>, vector<640x1xf32>
    %get3A_2 = arith.constant 0 : index
    %get3A_3 = arith.constant 0 : index
    %get3A_4 = vector.load %arg5[%get3A_2, %get3A_3] : memref<640x1xf32, #tpu.memory_space<vmem>>, vector<640x1xf32>
    %add3A = arith.addf %get3A_1, %get3A_4 : vector<640x1xf32>
    %add3A_5 = arith.constant 1.000000e+00 : f32
    %add3A_6 = vector.broadcast %add3A_5 : f32 to vector<640x1xf32>
    %add3A_7 = arith.addf %add3A, %add3A_6 : vector<640x1xf32>
    %rsqrt3A = math.rsqrt %add3A_7 : vector<640x1xf32>
    %get3A_8 = arith.constant 0 : index
    %get3A_9 = arith.constant 0 : index
    %get3A_10 = vector.load %arg1[%get3A_8, %get3A_9] : memref<640x128xf32, #tpu.memory_space<vmem>>, vector<640x128xf32>
    %get3A_11 = arith.constant 0 : index
    %get3A_12 = arith.constant 0 : index
    %get3A_13 = vector.load %arg2[%get3A_11, %get3A_12] : memref<640x128xf32, #tpu.memory_space<vmem>>, vector<640x128xf32>
    %add3A_14 = arith.addf %get3A_10, %get3A_13 : vector<640x128xf32>
    %get3A_15 = arith.constant 0 : index
    %get3A_16 = arith.constant 0 : index
    %get3A_17 = vector.load %arg3[%get3A_15, %get3A_16] : memref<640x128xf32, #tpu.memory_space<vmem>>, vector<640x128xf32>
    %add3A_18 = arith.addf %add3A_14, %get3A_17 : vector<640x128xf32>
    %mul3A = vector.broadcast %rsqrt3A : vector<640x1xf32> to vector<640x128xf32>
    %mul3A_19 = arith.mulf %add3A_18, %mul3A : vector<640x128xf32>
    %get3A_20 = arith.constant 0 : index
    %get3A_21 = arith.constant 0 : index
    %get3A_22 = vector.load %arg6[%get3A_20, %get3A_21] : memref<1x128xf32, #tpu.memory_space<vmem>>, vector<1x128xf32>
    %add3A_23 = vector.broadcast %get3A_22 : vector<1x128xf32> to vector<640x128xf32>
    %add3A_24 = arith.addf %mul3A_19, %add3A_23 : vector<640x128xf32>
    %max3A = arith.constant 0.000000e+00 : f32
    %max3A_25 = vector.broadcast %max3A : f32 to vector<640x128xf32>
    %max3A_26 = arith.maximumf %add3A_24, %max3A_25 : vector<640x128xf32>
    %get3A_27 = arith.constant 0 : index
    %get3A_28 = arith.constant 0 : index
    %get3A_29 = vector.load %arg7[%get3A_27, %get3A_28] : memref<128x128xf32, #tpu.memory_space<vmem>>, vector<128x128xf32>
    %dot_general3A = arith.constant dense<0.000000e+00> : vector<640x128xf32>
    %dot_general3A_30 = tpu.matmul %max3A_26, %get3A_29, %dot_general3A {dimension_numbers = #tpu.dot_dimension_numbers<[1], [0], [0], [1], [0, 0, 1, 1], [], []>, transpose_lhs_hint = false} : vector<640x128xf32>, vector<128x128xf32>, vector<640x128xf32> -> vector<640x128xf32>
    %mul3A_31 = vector.broadcast %rsqrt3A : vector<640x1xf32> to vector<640x128xf32>
    %mul3A_32 = arith.mulf %dot_general3A_30, %mul3A_31 : vector<640x128xf32>
    %swap3A = arith.constant 0 : index
    %swap3A_33 = arith.constant 0 : index
    %swap3A_34 = vector.load %arg8[%swap3A, %swap3A_33] : memref<640x128xf32, #tpu.memory_space<vmem>>, vector<640x128xf32>
    tpu.vector_store %arg8[%swap3A, %swap3A_33], %mul3A_32 {strides = array<i32>} : memref<640x128xf32, #tpu.memory_space<vmem>>, vector<640x128xf32>,
    return
  }
  func.func @transform_0(%arg0: i32) -> (i32, i32) {
    %c0_i32 = arith.constant 0 : i32
    %c0_i32_0 = arith.constant 0 : i32
    return %arg0, %c0_i32 : i32, i32
  }
  func.func @transform_1(%arg0: i32) -> (i32, i32) {
    %c0_i32 = arith.constant 0 : i32
    %c0_i32_0 = arith.constant 0 : i32
    return %arg0, %c0_i32 : i32, i32
  }
  func.func @transform_2(%arg0: i32) -> (i32, i32) {
    %c0_i32 = arith.constant 0 : i32
    %c0_i32_0 = arith.constant 0 : i32
    return %arg0, %c0_i32 : i32, i32
  }
  func.func @transform_3(%arg0: i32) -> (i32, i32) {
    %c0_i32 = arith.constant 0 : i32
    %c0_i32_0 = arith.constant 0 : i32
    return %arg0, %c0_i32 : i32, i32
  }
  func.func @transform_4(%arg0: i32) -> (i32, i32) {
    %c0_i32 = arith.constant 0 : i32
    %c0_i32_0 = arith.constant 0 : i32
    return %arg0, %c0_i32 : i32, i32
  }
  func.func @transform_5(%arg0: i32) -> (i32, i32) {
    %c0_i32 = arith.constant 0 : i32
    %c0_i32_0 = arith.constant 0 : i32
    %c0_i32_1 = arith.constant 0 : i32
    return %c0_i32, %c0_i32_0 : i32, i32
  }
  func.func @transform_6(%arg0: i32) -> (i32, i32) {
    %c0_i32 = arith.constant 0 : i32
    %c0_i32_0 = arith.constant 0 : i32
    %c0_i32_1 = arith.constant 0 : i32
    return %c0_i32, %c0_i32_0 : i32, i32
  }
  func.func @transform_7(%arg0: i32) -> (i32, i32) {
    %c0_i32 = arith.constant 0 : i32
    %c0_i32_0 = arith.constant 0 : i32
    return %arg0, %c0_i32 : i32, i32
  }
}

module attributes {stable_mosaic.version = 14 : i64} {
  func.func @_final_body(%arg0: i32, %arg1: memref<400x128xf32, #tpu.memory_space<vmem>>, %arg2: memref<400x128xf32, #tpu.memory_space<vmem>>, %arg3: memref<400x128xf32, #tpu.memory_space<vmem>>, %arg4: memref<400x1xf32, #tpu.memory_space<vmem>>, %arg5: memref<400x1xf32, #tpu.memory_space<vmem>>, %arg6: memref<1x128xf32, #tpu.memory_space<vmem>>, %arg7: memref<400x128xf32, #tpu.memory_space<vmem>>) attributes {dimension_semantics = [#tpu.dimension_semantics<arbitrary>], iteration_bounds = array<i64: 25>, scalar_prefetch = 0 : i64, scratch_operands = 0 : i64, tpu.core_type = #tpu.core_type<tc>, window_params = [{transform_indices = @transform_0, window_bounds = array<i64: 400, 128>}, {transform_indices = @transform_1, window_bounds = array<i64: 400, 128>}, {transform_indices = @transform_2, window_bounds = array<i64: 400, 128>}, {transform_indices = @transform_3, window_bounds = array<i64: 400, 1>}, {transform_indices = @transform_4, window_bounds = array<i64: 400, 1>}, {pipeline_mode = #tpu.pipeline_mode<synchronous>, transform_indices = @transform_5, window_bounds = array<i64: 1, 128>}, {transform_indices = @transform_6, window_bounds = array<i64: 400, 128>}]} {
    %get3A = arith.constant 0 : index
    %get3A_0 = arith.constant 0 : index
    %get3A_1 = vector.load %arg4[%get3A, %get3A_0] : memref<400x1xf32, #tpu.memory_space<vmem>>, vector<400x1xf32>
    %get3A_2 = arith.constant 0 : index
    %get3A_3 = arith.constant 0 : index
    %get3A_4 = vector.load %arg5[%get3A_2, %get3A_3] : memref<400x1xf32, #tpu.memory_space<vmem>>, vector<400x1xf32>
    %add3A = arith.addf %get3A_1, %get3A_4 : vector<400x1xf32>
    %add3A_5 = arith.constant 1.000000e+00 : f32
    %add3A_6 = vector.broadcast %add3A_5 : f32 to vector<400x1xf32>
    %add3A_7 = arith.addf %add3A, %add3A_6 : vector<400x1xf32>
    %rsqrt3A = math.rsqrt %add3A_7 : vector<400x1xf32>
    %get3A_8 = arith.constant 0 : index
    %get3A_9 = arith.constant 0 : index
    %get3A_10 = vector.load %arg1[%get3A_8, %get3A_9] : memref<400x128xf32, #tpu.memory_space<vmem>>, vector<400x128xf32>
    %get3A_11 = arith.constant 0 : index
    %get3A_12 = arith.constant 0 : index
    %get3A_13 = vector.load %arg2[%get3A_11, %get3A_12] : memref<400x128xf32, #tpu.memory_space<vmem>>, vector<400x128xf32>
    %add3A_14 = arith.addf %get3A_10, %get3A_13 : vector<400x128xf32>
    %get3A_15 = arith.constant 0 : index
    %get3A_16 = arith.constant 0 : index
    %get3A_17 = vector.load %arg3[%get3A_15, %get3A_16] : memref<400x128xf32, #tpu.memory_space<vmem>>, vector<400x128xf32>
    %add3A_18 = arith.addf %add3A_14, %get3A_17 : vector<400x128xf32>
    %mul3A = vector.broadcast %rsqrt3A : vector<400x1xf32> to vector<400x128xf32>
    %mul3A_19 = arith.mulf %add3A_18, %mul3A : vector<400x128xf32>
    %get3A_20 = arith.constant 0 : index
    %get3A_21 = arith.constant 0 : index
    %get3A_22 = vector.load %arg6[%get3A_20, %get3A_21] : memref<1x128xf32, #tpu.memory_space<vmem>>, vector<1x128xf32>
    %add3A_23 = vector.broadcast %get3A_22 : vector<1x128xf32> to vector<400x128xf32>
    %add3A_24 = arith.addf %mul3A_19, %add3A_23 : vector<400x128xf32>
    %reduce_max3A = arith.constant dense<0xFF800000> : vector<400xf32>
    %reduce_max3A_25 = vector.multi_reduction <maximumf>, %add3A_24, %reduce_max3A [1] : vector<400x128xf32> to vector<400xf32>
    %broadcast_in_dim3A = vector.shape_cast %reduce_max3A_25 : vector<400xf32> to vector<400x1xf32>
    %sub3A = vector.broadcast %broadcast_in_dim3A : vector<400x1xf32> to vector<400x128xf32>
    %sub3A_26 = arith.subf %add3A_24, %sub3A : vector<400x128xf32>
    %exp3A = math.exp %sub3A_26 : vector<400x128xf32>
    %reduce_sum3A = arith.constant dense<0.000000e+00> : vector<400xf32>
    %reduce_sum3A_27 = vector.multi_reduction <add>, %exp3A, %reduce_sum3A [1] : vector<400x128xf32> to vector<400xf32>
    %broadcast_in_dim3A_28 = vector.shape_cast %reduce_sum3A_27 : vector<400xf32> to vector<400x1xf32>
    %log3A = math.log %broadcast_in_dim3A_28 : vector<400x1xf32>
    %add3A_29 = arith.addf %log3A, %broadcast_in_dim3A : vector<400x1xf32>
    %sub3A_30 = vector.broadcast %add3A_29 : vector<400x1xf32> to vector<400x128xf32>
    %sub3A_31 = arith.subf %add3A_24, %sub3A_30 : vector<400x128xf32>
    %swap3A = arith.constant 0 : index
    %swap3A_32 = arith.constant 0 : index
    %swap3A_33 = vector.load %arg7[%swap3A, %swap3A_32] : memref<400x128xf32, #tpu.memory_space<vmem>>, vector<400x128xf32>
    tpu.vector_store %arg7[%swap3A, %swap3A_32], %sub3A_31 {strides = array<i32>} : memref<400x128xf32, #tpu.memory_space<vmem>>, vector<400x128xf32>,
    return
  }
  func.func @transform_0(%arg0: i32) -> (i32, i32) {
    %c0_i32 = arith.constant 0 : i32
    %c0_i32_0 = arith.constant 0 : i32
    return %arg0, %c0_i32 : i32, i32
  }
  func.func @transform_1(%arg0: i32) -> (i32, i32) {
    %c0_i32 = arith.constant 0 : i32
    %c0_i32_0 = arith.constant 0 : i32
    return %arg0, %c0_i32 : i32, i32
  }
  func.func @transform_2(%arg0: i32) -> (i32, i32) {
    %c0_i32 = arith.constant 0 : i32
    %c0_i32_0 = arith.constant 0 : i32
    return %arg0, %c0_i32 : i32, i32
  }
  func.func @transform_3(%arg0: i32) -> (i32, i32) {
    %c0_i32 = arith.constant 0 : i32
    %c0_i32_0 = arith.constant 0 : i32
    return %arg0, %c0_i32 : i32, i32
  }
  func.func @transform_4(%arg0: i32) -> (i32, i32) {
    %c0_i32 = arith.constant 0 : i32
    %c0_i32_0 = arith.constant 0 : i32
    return %arg0, %c0_i32 : i32, i32
  }
  func.func @transform_5(%arg0: i32) -> (i32, i32) {
    %c0_i32 = arith.constant 0 : i32
    %c0_i32_0 = arith.constant 0 : i32
    %c0_i32_1 = arith.constant 0 : i32
    return %c0_i32, %c0_i32_0 : i32, i32
  }
  func.func @transform_6(%arg0: i32) -> (i32, i32) {
    %c0_i32 = arith.constant 0 : i32
    %c0_i32_0 = arith.constant 0 : i32
    return %arg0, %c0_i32 : i32, i32
  }
}

</mosaic_0001>

<sc_bundles>
// kernel: kernel.11.cloned.1.call-start
scs
__scs_entry_jumppad:
0x0: {  	(pc) =	sbr.rel $0x88, $3  }
0x1: {  	(tag) =	ssettag $0x0;
	lr =	simm.s32 $0x1  }
0x2: {  	[smem:$0x3F9B] =	sst lr;
	_ =	strace $0xD0000000  }
0x3: {  	_ = 	snop  }
0x4: {  	_ = 	snop  }
0x5: {  	_ = 	snop  }
0x6: {  	_ = 	snop  }
0x7: {  	_ = 	snop  }
__scs_overlays_trampoline_lowered:
0x8: {  	[smem:$0x3FAA] =	sst s0  }
0x9: {  	[smem:$0x3FAB] =	sst s1  }
0xa: {  	[smem:$0x3FAC] =	sst s2  }
0xb: {  	[smem:$0x3FAD] =	sst s3  }
0xc: {  	[smem:$0x3FAE] =	sst s4  }
0xd: {  	[smem:$0x3FAF] =	sst s5  }
0xe: {  	[smem:$0x3FB0] =	sst s6  }
0xf: {  	[smem:$0x3FB1] =	sst s7  }
0x10: {  	[smem:$0x3FB2] =	sst s8  }
0x11: {  	[smem:$0x3FB3] =	sst s9;
	s0 =	simm.s32 @!p0 $0x0  }
0x12: {  	s1 =	sld [smem:$0x3F99];
	s0 =	simm.s32 @p0 $0x1  }
0x13: {  	[smem:$0x3FB4] =	sst s0;
	s0 =	simm.s32 @!p1 $0x0  }
0x14: {  	s2 =	sld [smem:$0x3F98];
	s0 =	simm.s32 @p1 $0x1  }
0x15: {  	[smem:$0x3FB5] =	sst s0;
	s0 =	simm.s32 @!p2 $0x0  }
0x16: {  	s3 =	sld [smem:$0x3FDB];
	s0 =	simm.s32 @p2 $0x1  }
0x17: {  	s4 =	simm.s32 $0x1BF5;
	[smem:$0x3FB7] =	sst s0  }
0x18: {  	s0 =	sld [smem:$0x3F9A];
	_ =	swait.ge [sflag:s4], $0x0  }
0x19: {  	s7 =	sld [smem:$0x3F9B]  }
0x1a: {  	s8 =	sadd.s32 $0xFFFFE003, lr  }
0x1b: {  	s9 =	sadd.s32 $0xFFFFFEF7, lr;
	s5 =	simm.s32 $0xFFFFFFFF;
	p2 =	slt.u32 s8, $0xFFFFF086  }
0x1c: {  	p1 =	slt.u32 s9, $0xF7A;
	s5 =	simm.s32 @!p2 $0x0  }
0x1d: {  	s5 =	simm.s32 @p1 $0x1;
	p0 =	seq.s32 s7, s2  }
0x1e: {  	s7 =	smul.u32 @!p0 $0xF7A, s2;
	p2 =	seq.s32 @!p0 s5, $0x0  }
0x1f: {  	s9 =	smul.u32 $0xF7A, s1;
	s8 =	simm.s32 @!p0 $0x1BF5;
	p2 =	por !p2, p0  }
0x20: {  	[sflag:s8] =	ssyncset.s32 @!p0 $0xFFFFF086;
	s6 =	sadd.s32 @!p0 s3, s7;
	s7 =	simm.s32 @!p0 $0x108  }
0x21: {  	s3 =	sadd.s32 s3, s9;
	s6 =	sadd.s32 @!p0 $0x88, s6;
	s7 =	simm.s32 @p2 $0x1082  }
0x22: {  	[simem:s7], [sflag:s8] =	dma.local @!p0 [hbm:s6], $0xF7A  }
0x23: {  	s9 =	sor.u32 $0xD0000000, s2;
	s6 =	simm.s32 $0x108;
	_ =	swait.ge @!p0 [sflag:s8], $0x0  }
0x24: {  	s3 =	sadd.s32 $0x88, s3;
	s6 =	simm.s32 @!p1 $0x1082;
	[sflag:s4] =	ssyncset.s32 $0xFFFFF086  }
0x25: {  	[simem:s6], [sflag:s4] =	dma.local [hbm:s3], $0xF7A  }
0x26: {  	[smem:$0x3F9B] =	sst s1;
	(tag) =	ssettag s2;
	_ =	strace s9  }
0x27: {  	s1 =	sld [smem:$0x3FAB]  }
0x28: {  	s2 =	sld [smem:$0x3FAC]  }
0x29: {  	s4 =	sld [smem:$0x3FAE]  }
0x2a: {  	p0 =	seq.s32 s5, $0x0;
	s5 =	sld [smem:$0x3FAF]  }
0x2b: {  	s6 =	sld [smem:$0x3FB0]  }
0x2c: {  	s7 =	sld [smem:$0x3FB1]  }
0x2d: {  	s3 =	simm.s32 $0x108;
	s8 =	sld [smem:$0x3FB2]  }
0x2e: {  	s3 =	simm.s32 @!p0 $0x1082;
	s9 =	sld [smem:$0x3FB3]  }
0x2f: {  	lr =	sadd.s32 s0, s3;
	s0 =	sld [smem:$0x3FAA]  }
0x30: {  	s3 =	sld [smem:$0x3FAD]  }
0x31: {  	[smem:$0x3FB6] =	sst s10  }
0x32: {  	s10 =	sld [smem:$0x3FB4];
	_ =	sdelay $0x3  }
0x33: {  	p0 =	seq.s32 s10, $0x1;
	s10 =	sld [smem:$0x3FB6];
	_ =	sdelay $0x3  }
0x34: {  	[smem:$0x3FB6] =	sst s10  }
0x35: {  	s10 =	sld [smem:$0x3FB5];
	_ =	sdelay $0x3  }
0x36: {  	p1 =	seq.s32 s10, $0x1;
	s10 =	sld [smem:$0x3FB6];
	_ =	sdelay $0x3  }
0x37: {  	[smem:$0x3FB6] =	sst s10  }
0x38: {  	s10 =	sld [smem:$0x3FB7]  }
0x39: {  	_ = 	snop;
	(pc) =	sbr.ind lr, $3  }
0x3a: {  	_ = 	snop  }
0x3b: {  	_ = 	snop  }
0x3c: {  	p2 =	seq.s32 s10, $0x1;
	s10 =	sld [smem:$0x3FB6]  }
0x3d: {  	_ =	shalt  }
0x3e: {  	_ =	shalt  }
0x3f: {  	_ =	shalt  }
0x40: {  	_ =	shalt  }
0x41: {  	_ =	shalt  }
0x42: {  	_ =	shalt  }
0x43: {  	_ =	shalt  }
0x44: {  	_ =	shalt  }
0x45: {  	_ =	shalt  }
0x46: {  	_ =	shalt  }
0x47: {  	_ =	shalt  }
0x48: {  	_ =	shalt  }
0x49: {  	_ =	shalt  }
0x4a: {  	_ =	shalt  }
0x4b: {  	_ =	shalt  }
0x4c: {  	_ =	shalt  }
0x4d: {  	_ =	shalt  }
0x4e: {  	_ =	shalt  }
0x4f: {  	_ =	shalt  }
0x50: {  	_ =	shalt  }
0x51: {  	_ =	shalt  }
0x52: {  	_ =	shalt  }
0x53: {  	_ =	shalt  }
0x54: {  	_ =	shalt  }
0x55: {  	_ =	shalt  }
0x56: {  	_ =	shalt  }
0x57: {  	_ =	shalt  }
0x58: {  	_ =	shalt  }
0x59: {  	_ =	shalt  }
0x5a: {  	_ =	shalt  }
0x5b: {  	_ =	shalt  }
0x5c: {  	_ =	shalt  }
0x5d: {  	_ =	shalt  }
0x5e: {  	_ =	shalt  }
0x5f: {  	_ =	shalt  }
0x60: {  	_ =	shalt  }
0x61: {  	_ =	shalt  }
0x62: {  	_ =	shalt  }
0x63: {  	_ =	shalt  }
0x64: {  	_ =	shalt  }
0x65: {  	_ =	shalt  }
0x66: {  	_ =	shalt  }
0x67: {  	_ =	shalt  }
0x68: {  	_ =	shalt  }
0x69: {  	_ =	shalt  }
0x6a: {  	_ =	shalt  }
0x6b: {  	_ =	shalt  }
0x6c: {  	_ =	shalt  }
0x6d: {  	_ =	shalt  }
0x6e: {  	_ =	shalt  }
0x6f: {  	_ =	shalt  }
0x70: {  	_ =	shalt  }
0x71: {  	_ =	shalt  }
0x72: {  	_ =	shalt  }
0x73: {  	_ =	shalt  }
0x74: {  	_ =	shalt  }
0x75: {  	_ =	shalt  }
0x76: {  	_ =	shalt  }
0x77: {  	_ =	shalt  }
0x78: {  	_ =	shalt  }
0x79: {  	_ =	shalt  }
0x7a: {  	_ =	shalt  }
0x7b: {  	_ =	shalt  }
0x7c: {  	_ =	shalt  }
0x7d: {  	_ =	shalt  }
0x7e: {  	_ =	shalt  }
0x7f: {  	_ =	shalt  }
0x80: {  	_ =	shalt  }
0x81: {  	_ =	shalt  }
0x82: {  	_ =	shalt  }
0x83: {  	_ =	shalt  }
0x84: {  	_ =	shalt  }
0x85: {  	_ =	shalt  }
0x86: {  	_ =	shalt  }
0x87: {  	_ =	shalt  }
.Lfunc_end0:
.L_simem_size_0:
called_computation.1_lowered:
.L_overlay_start_0:
0x88: {  	s2 =	sld [smem:$0x3FD9]  }
0x89: {  	s3 =	sld [smem:$0x3FFE];
	_ =	sdelay $0x1  }
0x8a: {  	s1 =	srdreg.scid  }
0x8b: {  	s0 =	sand.u32 $0x1, s1  }
0x8c: {  	s17 =	sshll.u32 s0, $0xA;
	s2 =	sadd.s32 s3, s2  }
0x8d: {  	s2 =	sadd.s32 s2, s17  }
0x8e: {  	[smem:$0x3FC2] =	sst s2  }
0x8f: {  	_ = 	snop  }
0x90: {  	s2 =	sld [smem:$0x3FD0];
	(tm) =	ssettm $0x1  }
0x91: {  	s18 =	sld [smem:$0x3FFB];
	_ =	sdelay $0x3  }
0x92: {  	_ =	strace s18  }
0x93: {  	s3 =	sld [smem:$0x3FFC];
	_ =	sdelay $0x3  }
0x94: {  	_ =	strace s3  }
0x95: {  	s3 =	sld [smem:$0x3FFD];
	_ =	sdelay $0x3  }
0x96: {  	_ =	strace s3  }
0x97: {  	_ =	strace $0x8FFFFFFF  }
0x98: {  	s19 =	sld [smem:$0x3FDB];
	_ =	sdelay $0x1  }
0x99: {  	s4 =	simm.s32 $_scs_section_size  }
0x9a: {  	s5 =	simm.s32 $_size__tile_overlayer_lowered;
	s6 =	simm.s32 $_tile_overlayer_lowered  }
0x9b: {  	s22 =	simm.s32 $0x1BFF;
	s21 =	sshll.u32 s6, $0x1;
	s3 =	sadd.s32 s4, s19  }
0x9c: {  	s7 =	simm.s32 $0x0;
	s20 =	sshll.u32 s5, $0x1;
	s5 =	sadd.s32 s21, s3  }
0x9d: {  	[timem:s7], [sflag:s22] =	dma.local [hbm:s5], s20  }
0x9e: {  	_ =	swait.ge [sflag:s22], s20  }
0x9f: {  	s4 =	ssub.s32 $0x0, s20;
	[sflag:s22] =	ssyncset.done $0x0  }
0xa0: {  	[sflag:s22] =	ssyncadd.s32 s4;
	_ =	sdelay $0x1  }
0xa1: {  	s23 =	simm.s32 $0x1B8B  }
0xa2: {  	_ =	swait.ge [sflag:s23], $0x1  }
0xa3: {  	[sflag:s23] =	ssyncset.done $0x0  }
0xa4: {  	s25 =	simm.s32 $0x1B8E;
	s24 =	sld [smem:$0x3FFE];
	[sflag:s23] =	ssyncadd.s32 $0xFFFFFFFF  }
0xa5: {  	s26 =	simm.s32 $execute0_lowered;
	[smem:$0x3FD2] =	sst s25  }
0xa6: {  	s5 =	sshll.u32 s26, $0x1;
	_ =	strace $0x80000049;
	[dreg:$0x1] =	wrdreg $0xFFFFFFFF  }
0xa7: {  	s28 =	simm.s32 $_size_execute0_lowered;
	s3 =	sadd.s32 s3, s5;
	[dreg:$0x0] =	wrdreg $0x0  }
0xa8: {  	s5 =	sshll.u32 s28, $0x1;
	[dreg:$0x2] =	wrdreg s3  }
0xa9: {  	[dreg:$0x3] =	wrdreg s5  }
0xaa: {  	[dreg:$0x4] =	wrdreg $0xC0  }
0xab: {  	_ =	task [dreg:s7], $0x5FFFF  }
0xac: {  	[dreg:$0x1] =	wrdreg $0xFFFFFFFF  }
0xad: {  	[dreg:$0x0] =	wrdreg $0x60  }
0xae: {  	[dreg:$0x2] =	wrdreg s24  }
0xaf: {  	[dreg:$0x3] =	wrdreg s2  }
0xb0: {  	[dreg:$0x4] =	wrdreg $0x90000  }
0xb1: {  	[dreg:$0x5] =	wrdreg $0x9  }
0xb2: {  	_ =	task.clear_ibuf [dreg:s7], $0x6FFFF;
	_ =	strace $0x90000049  }
0xb3: {  	s29 =	simm.s32 $0x9;
	_ =	strace $0x8000004B  }
0xb4: {  	_ =	swait.ge [sflag:s29], $0x1  }
0xb5: {  	[sflag:s29] =	ssyncadd.s32 $0xFFFFFFFF  }
0xb6: {  	_ =	strace $0x9000004B  }
0xb7: {  	_ =	sfence  }
0xb8: {  	s30 =	sld [smem:$0x0];
	_ =	sdelay $0x2  }
0xb9: {  	s31 =	sshll.u32 s1, $0xD;
	s1 =	sshrl.u32 s1, $0x2  }
0xba: {  	s3 =	sand.u32 $0x4000, s31;
	s1 =	sadd.s32 s1, s30  }
0xbb: {  	s0 =	sor.u32 s3, s0;
	s1 =	sshll.u32 s1, $0x11  }
0xbc: {  	s0 =	sor.u32 s1, s0  }
0xbd: {  	s0 =	sadd.s32 $0x8F2B, s0  }
0xbe: {  	[sflag:s0] =	ssyncadd.remote.s32 $0x1  }
0xbf: {  	_ =	sfence.sel $0xFFFF  }
0xc0: {  	[dreg:$0x0] =	wrdreg $0xFFFFFFFF;
	(pc) =	sbr.abs _section_cstart, $3  }
0xc1: {  	[dreg:$0x1] =	wrdreg $0xFFFFFFFF  }
0xc2: {  	_ =	task.clear_ibuf [dreg:s7], $0x2FFFF;
	_ =	strace $0x9FFFFFFF  }
0xc3: {  	(tm) =	ssettm $0x7FFFFFFF  }
tec
execute0_lowered:
.L_overlay_start_1:
0x0: {  	(tag) =	ssettag $0x1  }
0x1: {  	s5 =	rddreg [dreg:$0x0]  }
0x2: {  	s6 =	rddreg [dreg:$0x1]  }
0x3: {  	s1 =	rddreg [dreg:$0x2];
	s2 =	srdreg.scid  }
0x4: {  	s0 =	rddreg [dreg:$0x3];
	s3 =	simm.s32 $0x0;
	s15 =	simm.s32 $0x5000  }
0x5: {  	s16 =	simm.s32 $0x2;
	s17 =	simm.s32 $0x1;
	s18 =	simm.s32 $0x80  }
0x6: {  	s21 =	simm.s32 $0x0;
	s7 =	sand.u32 $0x1, s2;
	s2 =	stileid.u32  }
0x7: {  	[smem:$0x7FF] =	sst s3;
	s4 =	sshll.u32 s7, $0x4;
	s8 =	smul.u32 $0x140000, s7  }
0x8: {  	s10 =	smul.u32 $0x14000, s2;
	_ =	strace $0x8000004A;
	s7 =	ssub.s32 $0x2, s7  }
0x9: {  	s30 =	smul.u32 $0x50000, s2;
	s19 =	sshll.u32 s2, $0x6;
	s9 =	sor.u32 s2, s4  }
0xa: {  	s4 =	sadd.s32 $0x5E000, s5;
	s12 =	sshrl.u32 s7, $0x1;
	s19 =	sor.u32 $0x1C02, s19  }
0xb: {  	s9 =	smul.u32 $0x500, s9;
	s8 =	sadd.s32 s10, s8;
	s31 =	sshrl.u32 s30, $0x2  }
0xc: {  	s14 =	ssub.s32 s7, s12;
	s8 =	sshrl.u32 s8, $0x3;
	s7 =	sadd.s32 s31, s1  }
0xd: {  	s11 =	sadd.s32 s9, s5;
	s13 =	sadd.s32 s8, s5;
	s6 =	sadd.s32 s6, s9  }
0xe: {  	s8 =	sadd.s32 $0x4000, s7;
	s9 =	sadd.s32 $0x8000, s7;
	s10 =	sadd.s32 $0xC000, s7  }
0xf: {  	s20 =	sshrl.u32 s7, $0x3;
	s5 =	sadd.s32 $0x4000, s11;
	s11 =	sadd.s32 $0x10000, s7  }
0x10: {  	v0 =	vimm.f32 $0.0e+00;
	s12 =	sadd.s32 $0x86000, s13;
	s13 =	smax.u32 s14, $0x1;
	s14 =	simm.s32 $0x2800  }
.LBB2_1:
0x11: {  	[tilespmem:s3], [sflag:$0x1] =	stream.linear.gather [hbm4b:s5+s3], $0x2780, $0x38;
	[tilespmem:$0x1D000] =	vst v63  }
0x12: {  	s22 =	simm.s32 $0x0;
	s23 =	simm.s32 $0x200  }
0x13: {  	[tilespmem:s14], [sflag:$0x1] =	stream.linear.gather [hbm4b:s6+s3], $0x2780, $0x38;
	[tilespmem:$0x1D000] =	vst v63  }
.LBB2_2:
0x14: {  	p0 =	sne.s32 s23, $0xFE00;
	[tilespmem:s22+$0x5070] =	vst v0  }
0x15: {  	[tilespmem:s22+$0x5000] =	vst v0  }
0x16: {  	[tilespmem:s22+$0x5010] =	vst v0  }
.Ltmp0:
0x17: {  	[tilespmem:s22+$0x5020] =	vst v0;
	(pc) =	sbr.rel @p0 .LBB2_2-.Ltmp0, $4  }
0x18: {  	[tilespmem:s22+$0x5030] =	vst v0  }
0x19: {  	[tilespmem:s22+$0x5040] =	vst v0  }
0x1a: {  	[tilespmem:s22+$0x5050] =	vst v0  }
0x1b: {  	[tilespmem:s22+$0x5060] =	vst v0;
	s22 =	sshra.s32 s23, $0x2;
	s23 =	sadd.s32 $0x200, s23  }
0x1c: {  	[tilespmem:s22+$0x5070] =	vst v0  }
0x1d: {  	[tilespmem:s22+$0x5000] =	vst v0  }
0x1e: {  	[tilespmem:s22+$0x5010] =	vst v0  }
0x1f: {  	[tilespmem:s22+$0x5020] =	vst v0  }
0x20: {  	[tilespmem:s22+$0x5030] =	vst v0  }
0x21: {  	[tilespmem:s22+$0x5040] =	vst v0  }
0x22: {  	[tilespmem:s22+$0x5050] =	vst v0  }
0x23: {  	[tilespmem:s22+$0x5060] =	vst v0  }
0x24: {  	[spmem:s7] =	stream.linear.scatter [tilespmem:s15], [sflag:$0x2], $0x4000, $0x38;
	[tilespmem:$0x1D000] =	vst v63  }
0x25: {  	_ =	swait.ge [sflag:s16], $0x4000  }
0x26: {  	[sflag:s16] =	ssyncset.done $0x0  }
0x27: {  	[sflag:s16] =	ssyncadd.s32 $0xFFFFC000  }
0x28: {  	[spmem:s8] =	stream.linear.scatter [tilespmem:s15], [sflag:$0x2], $0x4000, $0x38;
	[tilespmem:$0x1D000] =	vst v63  }
0x29: {  	_ =	swait.ge [sflag:s16], $0x4000  }
0x2a: {  	[sflag:s16] =	ssyncset.done $0x0  }
0x2b: {  	[sflag:s16] =	ssyncadd.s32 $0xFFFFC000  }
0x2c: {  	[spmem:s9] =	stream.linear.scatter [tilespmem:s15], [sflag:$0x2], $0x4000, $0x38;
	[tilespmem:$0x1D000] =	vst v63  }
0x2d: {  	_ =	swait.ge [sflag:s16], $0x4000  }
0x2e: {  	[sflag:s16] =	ssyncset.done $0x0  }
0x2f: {  	[sflag:s16] =	ssyncadd.s32 $0xFFFFC000  }
0x30: {  	[spmem:s10] =	stream.linear.scatter [tilespmem:s15], [sflag:$0x2], $0x4000, $0x38;
	[tilespmem:$0x1D000] =	vst v63  }
0x31: {  	_ =	swait.ge [sflag:s16], $0x4000  }
0x32: {  	[sflag:s16] =	ssyncset.done $0x0  }
0x33: {  	[sflag:s16] =	ssyncadd.s32 $0xFFFFC000  }
0x34: {  	[spmem:s11] =	stream.linear.scatter [tilespmem:s15], [sflag:$0x2], $0x4000, $0x38;
	[tilespmem:$0x1D000] =	vst v63  }
0x35: {  	_ =	swait.ge [sflag:s16], $0x4000  }
0x36: {  	[sflag:s16] =	ssyncset.done $0x0  }
0x37: {  	[sflag:s16] =	ssyncadd.s32 $0xFFFFC000  }
0x38: {  	_ =	swait.ge [sflag:s17], $0x2780  }
0x39: {  	[sflag:s17] =	ssyncset.done $0x0  }
0x3a: {  	[sflag:s17] =	ssyncadd.s32 $0xFFFFD880  }
0x3b: {  	_ =	swait.ge [sflag:s17], $0x2780  }
0x3c: {  	[sflag:s17] =	ssyncset.done $0x0  }
0x3d: {  	[sflag:s17] =	ssyncadd.s32 $0xFFFFD880  }
0x3e: {  	s30 =	simm.s32 $0x0;
	[bflag:$0x0] =	sbarrier.arrive $0xFFFF  }
0x3f: {  	[tilespmem:s15], [sflag:$0x1] =	stream.indirect.gather [hbm4b:s4+s18], $0x80, s30, s18, $0xb8;
	[tilespmem:$0x1D000] =	vst v63  }
0x40: {  	_ =	swait.ge [sflag:s17], $0x4000  }
0x41: {  	[sflag:s17] =	ssyncset.done $0x0  }
0x42: {  	s31 =	simm.s32 $0x2800;
	[sflag:s17] =	ssyncadd.s32 $0xFFFFC000  }
0x43: {  	[spmem:s1] =	stream.indirect.scatter.add.f32 [tilespmem:s15], [sflag:$0x2], $0x80, s31, s18, $0xb8;
	[tilespmem:$0x1D000] =	vst v63  }
0x44: {  	_ =	swait.ge [sflag:s16], $0x4000  }
0x45: {  	s22 =	simm.s32 $0x200;
	s23 =	simm.s32 $0x400;
	[sflag:s16] =	ssyncset.done $0x0  }
.LBB2_4:
0x46: {  	s24 =	sshra.s32 s22, $0x2  }
0x47: {  	[sflag:s16] =	ssyncadd.s32 $0xFFFFC000;
	s22 =	smov.u32 s23;
	s25 =	sadd.s32 $0x200, s23  }
0x48: {  	[tilespmem:s15], [sflag:$0x1] =	stream.indirect.gather [hbm4b:s4+s18], $0x80, s24, s18, $0xb8;
	[tilespmem:$0x1D000] =	vst v63  }
0x49: {  	p0 =	sne.s32 s23, $0x9C00;
	_ =	swait.ge [sflag:s17], $0x4000  }
.Ltmp1:
0x4a: {  	[sflag:s17] =	ssyncset.done $0x0;
	(pc) =	sbr.rel @p0 .LBB2_4-.Ltmp1, $4  }
0x4b: {  	s23 =	sadd.s32 $0x2800, s24;
	[sflag:s17] =	ssyncadd.s32 $0xFFFFC000  }
0x4c: {  	[spmem:s1] =	stream.indirect.scatter.add.f32 [tilespmem:s15], [sflag:$0x2], $0x80, s23, s18, $0xb8;
	[tilespmem:$0x1D000] =	vst v63  }
0x4d: {  	_ =	swait.ge [sflag:s16], $0x4000  }
0x4e: {  	s23 =	smov.u32 s25;
	[sflag:s16] =	ssyncset.done $0x0  }
0x4f: {  	s22 =	sshra.s32 s22, $0x2;
	[sflag:s16] =	ssyncadd.s32 $0xFFFFC000  }
0x50: {  	[tilespmem:s15], [sflag:$0x1] =	stream.indirect.gather [hbm4b:s4+s18], $0x80, s22, s18, $0xb8;
	[tilespmem:$0x1D000] =	vst v63  }
0x51: {  	_ =	swait.ge [sflag:s17], $0x4000  }
0x52: {  	[sflag:s17] =	ssyncset.done $0x0  }
0x53: {  	s22 =	sadd.s32 $0x2800, s22;
	[sflag:s17] =	ssyncadd.s32 $0xFFFFC000  }
0x54: {  	[spmem:s1] =	stream.indirect.scatter.add.f32 [tilespmem:s15], [sflag:$0x2], $0x80, s22, s18, $0xb8;
	[tilespmem:$0x1D000] =	vst v63  }
0x55: {  	_ =	swait.ge [sflag:s16], $0x4000  }
0x56: {  	s21 =	sadd.s32 $0x1, s21;
	[sflag:s16] =	ssyncset.done $0x0  }
0x57: {  	p0 =	sne.s32 s21, s13;
	[sflag:s16] =	ssyncadd.s32 $0xFFFFC000  }
.Ltmp2:
0x58: {  	[bflag:$0x0] =	sbarrier.arrive $0xFFFF;
	(pc) =	sbr.rel @p0 .LBB2_1-.Ltmp2, $4  }
0x59: {  	[hbm:s12], [sflag:s19] =	dma.local [spmem:s20], $0x2800  }
0x5a: {  	_ =	swait.ge [sflag:s16], $0x2800  }
0x5b: {  	[sflag:s16] =	ssyncset.done $0x0  }
0x5c: {  	[sflag:s16] =	ssyncadd.s32 $0xFFFFD800  }
0x5d: {  	_ =	sfence.sel $0x180000  }
0x5e: {  	[bflag:$0x0] =	sbarrier.arrive $0xFFFF  }
0x5f: {  	p0 =	sne.s32 s2, $0x0;
	_ =	strace $0x9000004A  }
0x60: {  	s0 =	sadd.s32 @!p0 $0x100000, s0;
	[bflag:$0x2] =	sbarrier.arrive $0xFFFF  }
0x61: {  	[sflag:s0] =	ssyncadd.tile.s32 @!p0 $0x1;
	_ =	shalt  }
.Lfunc_end2:
_tile_overlayer_lowered:
.L_overlay_start_2:
0x62: {  	(tag) =	ssettag $0x2  }
0x63: {  	s0 =	rddreg [dreg:$0x0];
	s2 =	stileid.u32  }
0x64: {  	s1 =	rddreg [dreg:$0x1];
	p0 =	sne.s32 s2, $0x0  }
0x65: {  	s3 =	rddreg [dreg:$0x2];
	[bflag:$0x3] =	sbarrier.arrive $0xFFFF;
	s2 =	simm.s32 @!p0 $0x1C02  }
0x66: {  	[timem:s3], [sflag:s2] =	dma.local @!p0 [hbm:s0], s1  }
0x67: {  	s0 =	simm.s32 @!p0 $0x2  }
0x68: {  	_ =	swait.ge @!p0 [sflag:s0], s1  }
0x69: {  	s1 =	ssub.s32 @!p0 $0x0, s1;
	[sflag:s0] =	ssyncset.done @!p0 $0x0  }
0x6a: {  	[sflag:s0] =	ssyncadd.s32 @!p0 s1  }
0x6b: {  	[bflag:$0x3] =	sbarrier.arrive $0xFFFF  }
0x6c: {  	_ =	shalt  }

// kernel: kernel.14.cloned.1.call-start
scs
__scs_entry_jumppad:
0x0: {  	(pc) =	sbr.rel $0x88, $3  }
0x1: {  	(tag) =	ssettag $0x0;
	lr =	simm.s32 $0x1  }
0x2: {  	[smem:$0x3F9B] =	sst lr;
	_ =	strace $0xD0000000  }
0x3: {  	_ = 	snop  }
0x4: {  	_ = 	snop  }
0x5: {  	_ = 	snop  }
0x6: {  	_ = 	snop  }
0x7: {  	_ = 	snop  }
__scs_overlays_trampoline_lowered:
0x8: {  	[smem:$0x3FAA] =	sst s0  }
0x9: {  	[smem:$0x3FAB] =	sst s1  }
0xa: {  	[smem:$0x3FAC] =	sst s2  }
0xb: {  	[smem:$0x3FAD] =	sst s3  }
0xc: {  	[smem:$0x3FAE] =	sst s4  }
0xd: {  	[smem:$0x3FAF] =	sst s5  }
0xe: {  	[smem:$0x3FB0] =	sst s6  }
0xf: {  	[smem:$0x3FB1] =	sst s7  }
0x10: {  	[smem:$0x3FB2] =	sst s8  }
0x11: {  	[smem:$0x3FB3] =	sst s9;
	s0 =	simm.s32 @!p0 $0x0  }
0x12: {  	s1 =	sld [smem:$0x3F99];
	s0 =	simm.s32 @p0 $0x1  }
0x13: {  	[smem:$0x3FB4] =	sst s0;
	s0 =	simm.s32 @!p1 $0x0  }
0x14: {  	s2 =	sld [smem:$0x3F98];
	s0 =	simm.s32 @p1 $0x1  }
0x15: {  	[smem:$0x3FB5] =	sst s0;
	s0 =	simm.s32 @!p2 $0x0  }
0x16: {  	s3 =	sld [smem:$0x3FDB];
	s0 =	simm.s32 @p2 $0x1  }
0x17: {  	s4 =	simm.s32 $0x1BF5;
	[smem:$0x3FB7] =	sst s0  }
0x18: {  	s0 =	sld [smem:$0x3F9A];
	_ =	swait.ge [sflag:s4], $0x0  }
0x19: {  	s7 =	sld [smem:$0x3F9B]  }
0x1a: {  	s8 =	sadd.s32 $0xFFFFE003, lr  }
0x1b: {  	s9 =	sadd.s32 $0xFFFFFEF7, lr;
	s5 =	simm.s32 $0xFFFFFFFF;
	p2 =	slt.u32 s8, $0xFFFFF086  }
0x1c: {  	p1 =	slt.u32 s9, $0xF7A;
	s5 =	simm.s32 @!p2 $0x0  }
0x1d: {  	s5 =	simm.s32 @p1 $0x1;
	p0 =	seq.s32 s7, s2  }
0x1e: {  	s7 =	smul.u32 @!p0 $0xF7A, s2;
	p2 =	seq.s32 @!p0 s5, $0x0  }
0x1f: {  	s9 =	smul.u32 $0xF7A, s1;
	s8 =	simm.s32 @!p0 $0x1BF5;
	p2 =	por !p2, p0  }
0x20: {  	[sflag:s8] =	ssyncset.s32 @!p0 $0xFFFFF086;
	s6 =	sadd.s32 @!p0 s3, s7;
	s7 =	simm.s32 @!p0 $0x108  }
0x21: {  	s3 =	sadd.s32 s3, s9;
	s6 =	sadd.s32 @!p0 $0x88, s6;
	s7 =	simm.s32 @p2 $0x1082  }
0x22: {  	[simem:s7], [sflag:s8] =	dma.local @!p0 [hbm:s6], $0xF7A  }
0x23: {  	s9 =	sor.u32 $0xD0000000, s2;
	s6 =	simm.s32 $0x108;
	_ =	swait.ge @!p0 [sflag:s8], $0x0  }
0x24: {  	s3 =	sadd.s32 $0x88, s3;
	s6 =	simm.s32 @!p1 $0x1082;
	[sflag:s4] =	ssyncset.s32 $0xFFFFF086  }
0x25: {  	[simem:s6], [sflag:s4] =	dma.local [hbm:s3], $0xF7A  }
0x26: {  	[smem:$0x3F9B] =	sst s1;
	(tag) =	ssettag s2;
	_ =	strace s9  }
0x27: {  	s1 =	sld [smem:$0x3FAB]  }
0x28: {  	s2 =	sld [smem:$0x3FAC]  }
0x29: {  	s4 =	sld [smem:$0x3FAE]  }
0x2a: {  	p0 =	seq.s32 s5, $0x0;
	s5 =	sld [smem:$0x3FAF]  }
0x2b: {  	s6 =	sld [smem:$0x3FB0]  }
0x2c: {  	s7 =	sld [smem:$0x3FB1]  }
0x2d: {  	s3 =	simm.s32 $0x108;
	s8 =	sld [smem:$0x3FB2]  }
0x2e: {  	s3 =	simm.s32 @!p0 $0x1082;
	s9 =	sld [smem:$0x3FB3]  }
0x2f: {  	lr =	sadd.s32 s0, s3;
	s0 =	sld [smem:$0x3FAA]  }
0x30: {  	s3 =	sld [smem:$0x3FAD]  }
0x31: {  	[smem:$0x3FB6] =	sst s10  }
0x32: {  	s10 =	sld [smem:$0x3FB4];
	_ =	sdelay $0x3  }
0x33: {  	p0 =	seq.s32 s10, $0x1;
	s10 =	sld [smem:$0x3FB6];
	_ =	sdelay $0x3  }
0x34: {  	[smem:$0x3FB6] =	sst s10  }
0x35: {  	s10 =	sld [smem:$0x3FB5];
	_ =	sdelay $0x3  }
0x36: {  	p1 =	seq.s32 s10, $0x1;
	s10 =	sld [smem:$0x3FB6];
	_ =	sdelay $0x3  }
0x37: {  	[smem:$0x3FB6] =	sst s10  }
0x38: {  	s10 =	sld [smem:$0x3FB7]  }
0x39: {  	_ = 	snop;
	(pc) =	sbr.ind lr, $3  }
0x3a: {  	_ = 	snop  }
0x3b: {  	_ = 	snop  }
0x3c: {  	p2 =	seq.s32 s10, $0x1;
	s10 =	sld [smem:$0x3FB6]  }
0x3d: {  	_ =	shalt  }
0x3e: {  	_ =	shalt  }
0x3f: {  	_ =	shalt  }
0x40: {  	_ =	shalt  }
0x41: {  	_ =	shalt  }
0x42: {  	_ =	shalt  }
0x43: {  	_ =	shalt  }
0x44: {  	_ =	shalt  }
0x45: {  	_ =	shalt  }
0x46: {  	_ =	shalt  }
0x47: {  	_ =	shalt  }
0x48: {  	_ =	shalt  }
0x49: {  	_ =	shalt  }
0x4a: {  	_ =	shalt  }
0x4b: {  	_ =	shalt  }
0x4c: {  	_ =	shalt  }
0x4d: {  	_ =	shalt  }
0x4e: {  	_ =	shalt  }
0x4f: {  	_ =	shalt  }
0x50: {  	_ =	shalt  }
0x51: {  	_ =	shalt  }
0x52: {  	_ =	shalt  }
0x53: {  	_ =	shalt  }
0x54: {  	_ =	shalt  }
0x55: {  	_ =	shalt  }
0x56: {  	_ =	shalt  }
0x57: {  	_ =	shalt  }
0x58: {  	_ =	shalt  }
0x59: {  	_ =	shalt  }
0x5a: {  	_ =	shalt  }
0x5b: {  	_ =	shalt  }
0x5c: {  	_ =	shalt  }
0x5d: {  	_ =	shalt  }
0x5e: {  	_ =	shalt  }
0x5f: {  	_ =	shalt  }
0x60: {  	_ =	shalt  }
0x61: {  	_ =	shalt  }
0x62: {  	_ =	shalt  }
0x63: {  	_ =	shalt  }
0x64: {  	_ =	shalt  }
0x65: {  	_ =	shalt  }
0x66: {  	_ =	shalt  }
0x67: {  	_ =	shalt  }
0x68: {  	_ =	shalt  }
0x69: {  	_ =	shalt  }
0x6a: {  	_ =	shalt  }
0x6b: {  	_ =	shalt  }
0x6c: {  	_ =	shalt  }
0x6d: {  	_ =	shalt  }
0x6e: {  	_ =	shalt  }
0x6f: {  	_ =	shalt  }
0x70: {  	_ =	shalt  }
0x71: {  	_ =	shalt  }
0x72: {  	_ =	shalt  }
0x73: {  	_ =	shalt  }
0x74: {  	_ =	shalt  }
0x75: {  	_ =	shalt  }
0x76: {  	_ =	shalt  }
0x77: {  	_ =	shalt  }
0x78: {  	_ =	shalt  }
0x79: {  	_ =	shalt  }
0x7a: {  	_ =	shalt  }
0x7b: {  	_ =	shalt  }
0x7c: {  	_ =	shalt  }
0x7d: {  	_ =	shalt  }
0x7e: {  	_ =	shalt  }
0x7f: {  	_ =	shalt  }
0x80: {  	_ =	shalt  }
0x81: {  	_ =	shalt  }
0x82: {  	_ =	shalt  }
0x83: {  	_ =	shalt  }
0x84: {  	_ =	shalt  }
0x85: {  	_ =	shalt  }
0x86: {  	_ =	shalt  }
0x87: {  	_ =	shalt  }
.Lfunc_end0:
.L_simem_size_0:
called_computation.2_lowered:
.L_overlay_start_0:
0x88: {  	s2 =	sld [smem:$0x3FD9]  }
0x89: {  	s3 =	sld [smem:$0x3FFE];
	_ =	sdelay $0x1  }
0x8a: {  	s1 =	srdreg.scid  }
0x8b: {  	s0 =	sand.u32 $0x1, s1  }
0x8c: {  	s17 =	sshll.u32 s0, $0xA;
	s2 =	sadd.s32 s3, s2  }
0x8d: {  	s2 =	sadd.s32 s2, s17  }
0x8e: {  	[smem:$0x3FC2] =	sst s2  }
0x8f: {  	_ = 	snop  }
0x90: {  	s2 =	sld [smem:$0x3FD0];
	(tm) =	ssettm $0x1  }
0x91: {  	s18 =	sld [smem:$0x3FFB];
	_ =	sdelay $0x3  }
0x92: {  	_ =	strace s18  }
0x93: {  	s3 =	sld [smem:$0x3FFC];
	_ =	sdelay $0x3  }
0x94: {  	_ =	strace s3  }
0x95: {  	s3 =	sld [smem:$0x3FFD];
	_ =	sdelay $0x3  }
0x96: {  	_ =	strace s3  }
0x97: {  	_ =	strace $0x8FFFFFFF  }
0x98: {  	s19 =	sld [smem:$0x3FDB];
	_ =	sdelay $0x1  }
0x99: {  	s4 =	simm.s32 $_scs_section_size  }
0x9a: {  	s5 =	simm.s32 $_size__tile_overlayer_lowered;
	s6 =	simm.s32 $_tile_overlayer_lowered  }
0x9b: {  	s22 =	simm.s32 $0x1BFF;
	s21 =	sshll.u32 s6, $0x1;
	s3 =	sadd.s32 s4, s19  }
0x9c: {  	s7 =	simm.s32 $0x0;
	s20 =	sshll.u32 s5, $0x1;
	s5 =	sadd.s32 s21, s3  }
0x9d: {  	[timem:s7], [sflag:s22] =	dma.local [hbm:s5], s20  }
0x9e: {  	_ =	swait.ge [sflag:s22], s20  }
0x9f: {  	s4 =	ssub.s32 $0x0, s20;
	[sflag:s22] =	ssyncset.done $0x0  }
0xa0: {  	[sflag:s22] =	ssyncadd.s32 s4;
	_ =	sdelay $0x1  }
0xa1: {  	s23 =	simm.s32 $0x1B8B  }
0xa2: {  	_ =	swait.ge [sflag:s23], $0x1  }
0xa3: {  	[sflag:s23] =	ssyncset.done $0x0  }
0xa4: {  	s25 =	simm.s32 $0x1B8E;
	s24 =	sld [smem:$0x3FFE];
	[sflag:s23] =	ssyncadd.s32 $0xFFFFFFFF  }
0xa5: {  	s26 =	simm.s32 $execute0_lowered;
	[smem:$0x3FD2] =	sst s25  }
0xa6: {  	s5 =	sshll.u32 s26, $0x1;
	_ =	strace $0x8000004C;
	[dreg:$0x1] =	wrdreg $0xFFFFFFFF  }
0xa7: {  	s28 =	simm.s32 $_size_execute0_lowered;
	s3 =	sadd.s32 s3, s5;
	[dreg:$0x0] =	wrdreg $0x0  }
0xa8: {  	s5 =	sshll.u32 s28, $0x1;
	[dreg:$0x2] =	wrdreg s3  }
0xa9: {  	[dreg:$0x3] =	wrdreg s5  }
0xaa: {  	[dreg:$0x4] =	wrdreg $0xC0  }
0xab: {  	_ =	task [dreg:s7], $0x5FFFF  }
0xac: {  	[dreg:$0x1] =	wrdreg $0xFFFFFFFF  }
0xad: {  	[dreg:$0x0] =	wrdreg $0x60  }
0xae: {  	[dreg:$0x2] =	wrdreg s24  }
0xaf: {  	[dreg:$0x3] =	wrdreg s2  }
0xb0: {  	[dreg:$0x4] =	wrdreg $0x90000  }
0xb1: {  	[dreg:$0x5] =	wrdreg $0x9  }
0xb2: {  	_ =	task.clear_ibuf [dreg:s7], $0x6FFFF;
	_ =	strace $0x9000004C  }
0xb3: {  	s29 =	simm.s32 $0x9;
	_ =	strace $0x8000004E  }
0xb4: {  	_ =	swait.ge [sflag:s29], $0x1  }
0xb5: {  	[sflag:s29] =	ssyncadd.s32 $0xFFFFFFFF  }
0xb6: {  	_ =	strace $0x9000004E  }
0xb7: {  	_ =	sfence  }
0xb8: {  	s30 =	sld [smem:$0x0];
	_ =	sdelay $0x2  }
0xb9: {  	s31 =	sshll.u32 s1, $0xD;
	s1 =	sshrl.u32 s1, $0x2  }
0xba: {  	s3 =	sand.u32 $0x4000, s31;
	s1 =	sadd.s32 s1, s30  }
0xbb: {  	s0 =	sor.u32 s3, s0;
	s1 =	sshll.u32 s1, $0x11  }
0xbc: {  	s0 =	sor.u32 s1, s0  }
0xbd: {  	s0 =	sadd.s32 $0x8F2B, s0  }
0xbe: {  	[sflag:s0] =	ssyncadd.remote.s32 $0x1  }
0xbf: {  	_ =	sfence.sel $0xFFFF  }
0xc0: {  	[dreg:$0x0] =	wrdreg $0xFFFFFFFF;
	(pc) =	sbr.abs _section_cstart, $3  }
0xc1: {  	[dreg:$0x1] =	wrdreg $0xFFFFFFFF  }
0xc2: {  	_ =	task.clear_ibuf [dreg:s7], $0x2FFFF;
	_ =	strace $0x9FFFFFFF  }
0xc3: {  	(tm) =	ssettm $0x7FFFFFFF  }
tec
execute0_lowered:
.L_overlay_start_1:
0x0: {  	(tag) =	ssettag $0x1  }
0x1: {  	s5 =	rddreg [dreg:$0x0]  }
0x2: {  	s6 =	rddreg [dreg:$0x1]  }
0x3: {  	s1 =	rddreg [dreg:$0x2];
	s2 =	srdreg.scid  }
0x4: {  	s0 =	rddreg [dreg:$0x3];
	s3 =	simm.s32 $0x0;
	s15 =	simm.s32 $0x5000  }
0x5: {  	s16 =	simm.s32 $0x2;
	s17 =	simm.s32 $0x1;
	s18 =	simm.s32 $0x80  }
0x6: {  	s21 =	simm.s32 $0x0;
	s7 =	sand.u32 $0x1, s2;
	s2 =	stileid.u32  }
0x7: {  	[smem:$0x7FF] =	sst s3;
	s4 =	sshll.u32 s7, $0x4;
	s8 =	smul.u32 $0x140000, s7  }
0x8: {  	s10 =	smul.u32 $0x14000, s2;
	_ =	strace $0x8000004D;
	s7 =	ssub.s32 $0x2, s7  }
0x9: {  	s30 =	smul.u32 $0x50000, s2;
	s19 =	sshll.u32 s2, $0x6;
	s9 =	sor.u32 s2, s4  }
0xa: {  	s4 =	sadd.s32 $0x5E000, s5;
	s12 =	sshrl.u32 s7, $0x1;
	s19 =	sor.u32 $0x1C02, s19  }
0xb: {  	s9 =	smul.u32 $0x500, s9;
	s8 =	sadd.s32 s10, s8;
	s31 =	sshrl.u32 s30, $0x2  }
0xc: {  	s14 =	ssub.s32 s7, s12;
	s8 =	sshrl.u32 s8, $0x3;
	s7 =	sadd.s32 s31, s1  }
0xd: {  	s11 =	sadd.s32 s9, s5;
	s13 =	sadd.s32 s8, s5;
	s6 =	sadd.s32 s6, s9  }
0xe: {  	s8 =	sadd.s32 $0x4000, s7;
	s9 =	sadd.s32 $0x8000, s7;
	s10 =	sadd.s32 $0xC000, s7  }
0xf: {  	s20 =	sshrl.u32 s7, $0x3;
	s5 =	sadd.s32 $0x4000, s11;
	s11 =	sadd.s32 $0x10000, s7  }
0x10: {  	v0 =	vimm.f32 $0.0e+00;
	s12 =	sadd.s32 $0x86000, s13;
	s13 =	smax.u32 s14, $0x1;
	s14 =	simm.s32 $0x2800  }
.LBB2_1:
0x11: {  	[tilespmem:s3], [sflag:$0x1] =	stream.linear.gather [hbm4b:s5+s3], $0x2780, $0x38;
	[tilespmem:$0x1D000] =	vst v63  }
0x12: {  	s22 =	simm.s32 $0x0;
	s23 =	simm.s32 $0x200  }
0x13: {  	[tilespmem:s14], [sflag:$0x1] =	stream.linear.gather [hbm4b:s6+s3], $0x2780, $0x38;
	[tilespmem:$0x1D000] =	vst v63  }
.LBB2_2:
0x14: {  	p0 =	sne.s32 s23, $0xFE00;
	[tilespmem:s22+$0x5070] =	vst v0  }
0x15: {  	[tilespmem:s22+$0x5000] =	vst v0  }
0x16: {  	[tilespmem:s22+$0x5010] =	vst v0  }
.Ltmp0:
0x17: {  	[tilespmem:s22+$0x5020] =	vst v0;
	(pc) =	sbr.rel @p0 .LBB2_2-.Ltmp0, $4  }
0x18: {  	[tilespmem:s22+$0x5030] =	vst v0  }
0x19: {  	[tilespmem:s22+$0x5040] =	vst v0  }
0x1a: {  	[tilespmem:s22+$0x5050] =	vst v0  }
0x1b: {  	[tilespmem:s22+$0x5060] =	vst v0;
	s22 =	sshra.s32 s23, $0x2;
	s23 =	sadd.s32 $0x200, s23  }
0x1c: {  	[tilespmem:s22+$0x5070] =	vst v0  }
0x1d: {  	[tilespmem:s22+$0x5000] =	vst v0  }
0x1e: {  	[tilespmem:s22+$0x5010] =	vst v0  }
0x1f: {  	[tilespmem:s22+$0x5020] =	vst v0  }
0x20: {  	[tilespmem:s22+$0x5030] =	vst v0  }
0x21: {  	[tilespmem:s22+$0x5040] =	vst v0  }
0x22: {  	[tilespmem:s22+$0x5050] =	vst v0  }
0x23: {  	[tilespmem:s22+$0x5060] =	vst v0  }
0x24: {  	[spmem:s7] =	stream.linear.scatter [tilespmem:s15], [sflag:$0x2], $0x4000, $0x38;
	[tilespmem:$0x1D000] =	vst v63  }
0x25: {  	_ =	swait.ge [sflag:s16], $0x4000  }
0x26: {  	[sflag:s16] =	ssyncset.done $0x0  }
0x27: {  	[sflag:s16] =	ssyncadd.s32 $0xFFFFC000  }
0x28: {  	[spmem:s8] =	stream.linear.scatter [tilespmem:s15], [sflag:$0x2], $0x4000, $0x38;
	[tilespmem:$0x1D000] =	vst v63  }
0x29: {  	_ =	swait.ge [sflag:s16], $0x4000  }
0x2a: {  	[sflag:s16] =	ssyncset.done $0x0  }
0x2b: {  	[sflag:s16] =	ssyncadd.s32 $0xFFFFC000  }
0x2c: {  	[spmem:s9] =	stream.linear.scatter [tilespmem:s15], [sflag:$0x2], $0x4000, $0x38;
	[tilespmem:$0x1D000] =	vst v63  }
0x2d: {  	_ =	swait.ge [sflag:s16], $0x4000  }
0x2e: {  	[sflag:s16] =	ssyncset.done $0x0  }
0x2f: {  	[sflag:s16] =	ssyncadd.s32 $0xFFFFC000  }
0x30: {  	[spmem:s10] =	stream.linear.scatter [tilespmem:s15], [sflag:$0x2], $0x4000, $0x38;
	[tilespmem:$0x1D000] =	vst v63  }
0x31: {  	_ =	swait.ge [sflag:s16], $0x4000  }
0x32: {  	[sflag:s16] =	ssyncset.done $0x0  }
0x33: {  	[sflag:s16] =	ssyncadd.s32 $0xFFFFC000  }
0x34: {  	[spmem:s11] =	stream.linear.scatter [tilespmem:s15], [sflag:$0x2], $0x4000, $0x38;
	[tilespmem:$0x1D000] =	vst v63  }
0x35: {  	_ =	swait.ge [sflag:s16], $0x4000  }
0x36: {  	[sflag:s16] =	ssyncset.done $0x0  }
0x37: {  	[sflag:s16] =	ssyncadd.s32 $0xFFFFC000  }
0x38: {  	_ =	swait.ge [sflag:s17], $0x2780  }
0x39: {  	[sflag:s17] =	ssyncset.done $0x0  }
0x3a: {  	[sflag:s17] =	ssyncadd.s32 $0xFFFFD880  }
0x3b: {  	_ =	swait.ge [sflag:s17], $0x2780  }
0x3c: {  	[sflag:s17] =	ssyncset.done $0x0  }
0x3d: {  	[sflag:s17] =	ssyncadd.s32 $0xFFFFD880  }
0x3e: {  	s30 =	simm.s32 $0x0;
	[bflag:$0x0] =	sbarrier.arrive $0xFFFF  }
0x3f: {  	[tilespmem:s15], [sflag:$0x1] =	stream.indirect.gather [hbm4b:s4+s18], $0x80, s30, s18, $0xb8;
	[tilespmem:$0x1D000] =	vst v63  }
0x40: {  	_ =	swait.ge [sflag:s17], $0x4000  }
0x41: {  	[sflag:s17] =	ssyncset.done $0x0  }
0x42: {  	s31 =	simm.s32 $0x2800;
	[sflag:s17] =	ssyncadd.s32 $0xFFFFC000  }
0x43: {  	[spmem:s1] =	stream.indirect.scatter.add.f32 [tilespmem:s15], [sflag:$0x2], $0x80, s31, s18, $0xb8;
	[tilespmem:$0x1D000] =	vst v63  }
0x44: {  	_ =	swait.ge [sflag:s16], $0x4000  }
0x45: {  	s22 =	simm.s32 $0x200;
	s23 =	simm.s32 $0x400;
	[sflag:s16] =	ssyncset.done $0x0  }
.LBB2_4:
0x46: {  	s24 =	sshra.s32 s22, $0x2  }
0x47: {  	[sflag:s16] =	ssyncadd.s32 $0xFFFFC000;
	s22 =	smov.u32 s23;
	s25 =	sadd.s32 $0x200, s23  }
0x48: {  	[tilespmem:s15], [sflag:$0x1] =	stream.indirect.gather [hbm4b:s4+s18], $0x80, s24, s18, $0xb8;
	[tilespmem:$0x1D000] =	vst v63  }
0x49: {  	p0 =	sne.s32 s23, $0x9C00;
	_ =	swait.ge [sflag:s17], $0x4000  }
.Ltmp1:
0x4a: {  	[sflag:s17] =	ssyncset.done $0x0;
	(pc) =	sbr.rel @p0 .LBB2_4-.Ltmp1, $4  }
0x4b: {  	s23 =	sadd.s32 $0x2800, s24;
	[sflag:s17] =	ssyncadd.s32 $0xFFFFC000  }
0x4c: {  	[spmem:s1] =	stream.indirect.scatter.add.f32 [tilespmem:s15], [sflag:$0x2], $0x80, s23, s18, $0xb8;
	[tilespmem:$0x1D000] =	vst v63  }
0x4d: {  	_ =	swait.ge [sflag:s16], $0x4000  }
0x4e: {  	s23 =	smov.u32 s25;
	[sflag:s16] =	ssyncset.done $0x0  }
0x4f: {  	s22 =	sshra.s32 s22, $0x2;
	[sflag:s16] =	ssyncadd.s32 $0xFFFFC000  }
0x50: {  	[tilespmem:s15], [sflag:$0x1] =	stream.indirect.gather [hbm4b:s4+s18], $0x80, s22, s18, $0xb8;
	[tilespmem:$0x1D000] =	vst v63  }
0x51: {  	_ =	swait.ge [sflag:s17], $0x4000  }
0x52: {  	[sflag:s17] =	ssyncset.done $0x0  }
0x53: {  	s22 =	sadd.s32 $0x2800, s22;
	[sflag:s17] =	ssyncadd.s32 $0xFFFFC000  }
0x54: {  	[spmem:s1] =	stream.indirect.scatter.add.f32 [tilespmem:s15], [sflag:$0x2], $0x80, s22, s18, $0xb8;
	[tilespmem:$0x1D000] =	vst v63  }
0x55: {  	_ =	swait.ge [sflag:s16], $0x4000  }
0x56: {  	s21 =	sadd.s32 $0x1, s21;
	[sflag:s16] =	ssyncset.done $0x0  }
0x57: {  	p0 =	sne.s32 s21, s13;
	[sflag:s16] =	ssyncadd.s32 $0xFFFFC000  }
.Ltmp2:
0x58: {  	[bflag:$0x0] =	sbarrier.arrive $0xFFFF;
	(pc) =	sbr.rel @p0 .LBB2_1-.Ltmp2, $4  }
0x59: {  	[hbm:s12], [sflag:s19] =	dma.local [spmem:s20], $0x2800  }
0x5a: {  	_ =	swait.ge [sflag:s16], $0x2800  }
0x5b: {  	[sflag:s16] =	ssyncset.done $0x0  }
0x5c: {  	[sflag:s16] =	ssyncadd.s32 $0xFFFFD800  }
0x5d: {  	_ =	sfence.sel $0x180000  }
0x5e: {  	[bflag:$0x0] =	sbarrier.arrive $0xFFFF  }
0x5f: {  	p0 =	sne.s32 s2, $0x0;
	_ =	strace $0x9000004D  }
0x60: {  	s0 =	sadd.s32 @!p0 $0x100000, s0;
	[bflag:$0x2] =	sbarrier.arrive $0xFFFF  }
0x61: {  	[sflag:s0] =	ssyncadd.tile.s32 @!p0 $0x1;
	_ =	shalt  }
.Lfunc_end2:
_tile_overlayer_lowered:
.L_overlay_start_2:
0x62: {  	(tag) =	ssettag $0x2  }
0x63: {  	s0 =	rddreg [dreg:$0x0];
	s2 =	stileid.u32  }
0x64: {  	s1 =	rddreg [dreg:$0x1];
	p0 =	sne.s32 s2, $0x0  }
0x65: {  	s3 =	rddreg [dreg:$0x2];
	[bflag:$0x3] =	sbarrier.arrive $0xFFFF;
	s2 =	simm.s32 @!p0 $0x1C02  }
0x66: {  	[timem:s3], [sflag:s2] =	dma.local @!p0 [hbm:s0], s1  }
0x67: {  	s0 =	simm.s32 @!p0 $0x2  }
0x68: {  	_ =	swait.ge @!p0 [sflag:s0], s1  }
0x69: {  	s1 =	ssub.s32 @!p0 $0x0, s1;
	[sflag:s0] =	ssyncset.done @!p0 $0x0  }
0x6a: {  	[sflag:s0] =	ssyncadd.s32 @!p0 s1  }
0x6b: {  	[bflag:$0x3] =	sbarrier.arrive $0xFFFF  }
0x6c: {  	_ =	shalt  }

// kernel: kernel.8.cloned.1.call-start
scs
__scs_entry_jumppad:
0x0: {  	(pc) =	sbr.rel $0x88, $3  }
0x1: {  	(tag) =	ssettag $0x0;
	lr =	simm.s32 $0x1  }
0x2: {  	[smem:$0x3F9B] =	sst lr;
	_ =	strace $0xD0000000  }
0x3: {  	_ = 	snop  }
0x4: {  	_ = 	snop  }
0x5: {  	_ = 	snop  }
0x6: {  	_ = 	snop  }
0x7: {  	_ = 	snop  }
__scs_overlays_trampoline_lowered:
0x8: {  	[smem:$0x3FAA] =	sst s0  }
0x9: {  	[smem:$0x3FAB] =	sst s1  }
0xa: {  	[smem:$0x3FAC] =	sst s2  }
0xb: {  	[smem:$0x3FAD] =	sst s3  }
0xc: {  	[smem:$0x3FAE] =	sst s4  }
0xd: {  	[smem:$0x3FAF] =	sst s5  }
0xe: {  	[smem:$0x3FB0] =	sst s6  }
0xf: {  	[smem:$0x3FB1] =	sst s7  }
0x10: {  	[smem:$0x3FB2] =	sst s8  }
0x11: {  	[smem:$0x3FB3] =	sst s9;
	s0 =	simm.s32 @!p0 $0x0  }
0x12: {  	s1 =	sld [smem:$0x3F99];
	s0 =	simm.s32 @p0 $0x1  }
0x13: {  	[smem:$0x3FB4] =	sst s0;
	s0 =	simm.s32 @!p1 $0x0  }
0x14: {  	s2 =	sld [smem:$0x3F98];
	s0 =	simm.s32 @p1 $0x1  }
0x15: {  	[smem:$0x3FB5] =	sst s0;
	s0 =	simm.s32 @!p2 $0x0  }
0x16: {  	s3 =	sld [smem:$0x3FDB];
	s0 =	simm.s32 @p2 $0x1  }
0x17: {  	s4 =	simm.s32 $0x1BF5;
	[smem:$0x3FB7] =	sst s0  }
0x18: {  	s0 =	sld [smem:$0x3F9A];
	_ =	swait.ge [sflag:s4], $0x0  }
0x19: {  	s7 =	sld [smem:$0x3F9B]  }
0x1a: {  	s8 =	sadd.s32 $0xFFFFE003, lr  }
0x1b: {  	s9 =	sadd.s32 $0xFFFFFEF7, lr;
	s5 =	simm.s32 $0xFFFFFFFF;
	p2 =	slt.u32 s8, $0xFFFFF086  }
0x1c: {  	p1 =	slt.u32 s9, $0xF7A;
	s5 =	simm.s32 @!p2 $0x0  }
0x1d: {  	s5 =	simm.s32 @p1 $0x1;
	p0 =	seq.s32 s7, s2  }
0x1e: {  	s7 =	smul.u32 @!p0 $0xF7A, s2;
	p2 =	seq.s32 @!p0 s5, $0x0  }
0x1f: {  	s9 =	smul.u32 $0xF7A, s1;
	s8 =	simm.s32 @!p0 $0x1BF5;
	p2 =	por !p2, p0  }
0x20: {  	[sflag:s8] =	ssyncset.s32 @!p0 $0xFFFFF086;
	s6 =	sadd.s32 @!p0 s3, s7;
	s7 =	simm.s32 @!p0 $0x108  }
0x21: {  	s3 =	sadd.s32 s3, s9;
	s6 =	sadd.s32 @!p0 $0x88, s6;
	s7 =	simm.s32 @p2 $0x1082  }
0x22: {  	[simem:s7], [sflag:s8] =	dma.local @!p0 [hbm:s6], $0xF7A  }
0x23: {  	s9 =	sor.u32 $0xD0000000, s2;
	s6 =	simm.s32 $0x108;
	_ =	swait.ge @!p0 [sflag:s8], $0x0  }
0x24: {  	s3 =	sadd.s32 $0x88, s3;
	s6 =	simm.s32 @!p1 $0x1082;
	[sflag:s4] =	ssyncset.s32 $0xFFFFF086  }
0x25: {  	[simem:s6], [sflag:s4] =	dma.local [hbm:s3], $0xF7A  }
0x26: {  	[smem:$0x3F9B] =	sst s1;
	(tag) =	ssettag s2;
	_ =	strace s9  }
0x27: {  	s1 =	sld [smem:$0x3FAB]  }
0x28: {  	s2 =	sld [smem:$0x3FAC]  }
0x29: {  	s4 =	sld [smem:$0x3FAE]  }
0x2a: {  	p0 =	seq.s32 s5, $0x0;
	s5 =	sld [smem:$0x3FAF]  }
0x2b: {  	s6 =	sld [smem:$0x3FB0]  }
0x2c: {  	s7 =	sld [smem:$0x3FB1]  }
0x2d: {  	s3 =	simm.s32 $0x108;
	s8 =	sld [smem:$0x3FB2]  }
0x2e: {  	s3 =	simm.s32 @!p0 $0x1082;
	s9 =	sld [smem:$0x3FB3]  }
0x2f: {  	lr =	sadd.s32 s0, s3;
	s0 =	sld [smem:$0x3FAA]  }
0x30: {  	s3 =	sld [smem:$0x3FAD]  }
0x31: {  	[smem:$0x3FB6] =	sst s10  }
0x32: {  	s10 =	sld [smem:$0x3FB4];
	_ =	sdelay $0x3  }
0x33: {  	p0 =	seq.s32 s10, $0x1;
	s10 =	sld [smem:$0x3FB6];
	_ =	sdelay $0x3  }
0x34: {  	[smem:$0x3FB6] =	sst s10  }
0x35: {  	s10 =	sld [smem:$0x3FB5];
	_ =	sdelay $0x3  }
0x36: {  	p1 =	seq.s32 s10, $0x1;
	s10 =	sld [smem:$0x3FB6];
	_ =	sdelay $0x3  }
0x37: {  	[smem:$0x3FB6] =	sst s10  }
0x38: {  	s10 =	sld [smem:$0x3FB7]  }
0x39: {  	_ = 	snop;
	(pc) =	sbr.ind lr, $3  }
0x3a: {  	_ = 	snop  }
0x3b: {  	_ = 	snop  }
0x3c: {  	p2 =	seq.s32 s10, $0x1;
	s10 =	sld [smem:$0x3FB6]  }
0x3d: {  	_ =	shalt  }
0x3e: {  	_ =	shalt  }
0x3f: {  	_ =	shalt  }
0x40: {  	_ =	shalt  }
0x41: {  	_ =	shalt  }
0x42: {  	_ =	shalt  }
0x43: {  	_ =	shalt  }
0x44: {  	_ =	shalt  }
0x45: {  	_ =	shalt  }
0x46: {  	_ =	shalt  }
0x47: {  	_ =	shalt  }
0x48: {  	_ =	shalt  }
0x49: {  	_ =	shalt  }
0x4a: {  	_ =	shalt  }
0x4b: {  	_ =	shalt  }
0x4c: {  	_ =	shalt  }
0x4d: {  	_ =	shalt  }
0x4e: {  	_ =	shalt  }
0x4f: {  	_ =	shalt  }
0x50: {  	_ =	shalt  }
0x51: {  	_ =	shalt  }
0x52: {  	_ =	shalt  }
0x53: {  	_ =	shalt  }
0x54: {  	_ =	shalt  }
0x55: {  	_ =	shalt  }
0x56: {  	_ =	shalt  }
0x57: {  	_ =	shalt  }
0x58: {  	_ =	shalt  }
0x59: {  	_ =	shalt  }
0x5a: {  	_ =	shalt  }
0x5b: {  	_ =	shalt  }
0x5c: {  	_ =	shalt  }
0x5d: {  	_ =	shalt  }
0x5e: {  	_ =	shalt  }
0x5f: {  	_ =	shalt  }
0x60: {  	_ =	shalt  }
0x61: {  	_ =	shalt  }
0x62: {  	_ =	shalt  }
0x63: {  	_ =	shalt  }
0x64: {  	_ =	shalt  }
0x65: {  	_ =	shalt  }
0x66: {  	_ =	shalt  }
0x67: {  	_ =	shalt  }
0x68: {  	_ =	shalt  }
0x69: {  	_ =	shalt  }
0x6a: {  	_ =	shalt  }
0x6b: {  	_ =	shalt  }
0x6c: {  	_ =	shalt  }
0x6d: {  	_ =	shalt  }
0x6e: {  	_ =	shalt  }
0x6f: {  	_ =	shalt  }
0x70: {  	_ =	shalt  }
0x71: {  	_ =	shalt  }
0x72: {  	_ =	shalt  }
0x73: {  	_ =	shalt  }
0x74: {  	_ =	shalt  }
0x75: {  	_ =	shalt  }
0x76: {  	_ =	shalt  }
0x77: {  	_ =	shalt  }
0x78: {  	_ =	shalt  }
0x79: {  	_ =	shalt  }
0x7a: {  	_ =	shalt  }
0x7b: {  	_ =	shalt  }
0x7c: {  	_ =	shalt  }
0x7d: {  	_ =	shalt  }
0x7e: {  	_ =	shalt  }
0x7f: {  	_ =	shalt  }
0x80: {  	_ =	shalt  }
0x81: {  	_ =	shalt  }
0x82: {  	_ =	shalt  }
0x83: {  	_ =	shalt  }
0x84: {  	_ =	shalt  }
0x85: {  	_ =	shalt  }
0x86: {  	_ =	shalt  }
0x87: {  	_ =	shalt  }
.Lfunc_end0:
.L_simem_size_0:
called_computation_lowered:
.L_overlay_start_0:
0x88: {  	s2 =	sld [smem:$0x3FD9]  }
0x89: {  	s3 =	sld [smem:$0x3FFE];
	_ =	sdelay $0x1  }
0x8a: {  	s1 =	srdreg.scid  }
0x8b: {  	s0 =	sand.u32 $0x1, s1  }
0x8c: {  	s17 =	sshll.u32 s0, $0xA;
	s2 =	sadd.s32 s3, s2  }
0x8d: {  	s2 =	sadd.s32 s2, s17  }
0x8e: {  	[smem:$0x3FC2] =	sst s2  }
0x8f: {  	_ = 	snop  }
0x90: {  	s2 =	sld [smem:$0x3FD0];
	(tm) =	ssettm $0x1  }
0x91: {  	s18 =	sld [smem:$0x3FFB];
	_ =	sdelay $0x3  }
0x92: {  	_ =	strace s18  }
0x93: {  	s3 =	sld [smem:$0x3FFC];
	_ =	sdelay $0x3  }
0x94: {  	_ =	strace s3  }
0x95: {  	s3 =	sld [smem:$0x3FFD];
	_ =	sdelay $0x3  }
0x96: {  	_ =	strace s3  }
0x97: {  	_ =	strace $0x8FFFFFFF  }
0x98: {  	s19 =	sld [smem:$0x3FDB];
	_ =	sdelay $0x1  }
0x99: {  	s4 =	simm.s32 $_scs_section_size  }
0x9a: {  	s5 =	simm.s32 $_size__tile_overlayer_lowered;
	s6 =	simm.s32 $_tile_overlayer_lowered  }
0x9b: {  	s22 =	simm.s32 $0x1BFF;
	s21 =	sshll.u32 s6, $0x1;
	s3 =	sadd.s32 s4, s19  }
0x9c: {  	s7 =	simm.s32 $0x0;
	s20 =	sshll.u32 s5, $0x1;
	s5 =	sadd.s32 s21, s3  }
0x9d: {  	[timem:s7], [sflag:s22] =	dma.local [hbm:s5], s20  }
0x9e: {  	_ =	swait.ge [sflag:s22], s20  }
0x9f: {  	s4 =	ssub.s32 $0x0, s20;
	[sflag:s22] =	ssyncset.done $0x0  }
0xa0: {  	[sflag:s22] =	ssyncadd.s32 s4;
	_ =	sdelay $0x1  }
0xa1: {  	s23 =	simm.s32 $0x1B8B  }
0xa2: {  	_ =	swait.ge [sflag:s23], $0x1  }
0xa3: {  	[sflag:s23] =	ssyncset.done $0x0  }
0xa4: {  	s25 =	simm.s32 $0x1B8E;
	s24 =	sld [smem:$0x3FFE];
	[sflag:s23] =	ssyncadd.s32 $0xFFFFFFFF  }
0xa5: {  	s26 =	simm.s32 $execute0_lowered;
	[smem:$0x3FD2] =	sst s25  }
0xa6: {  	s5 =	sshll.u32 s26, $0x1;
	_ =	strace $0x80000046;
	[dreg:$0x1] =	wrdreg $0xFFFFFFFF  }
0xa7: {  	s28 =	simm.s32 $_size_execute0_lowered;
	s3 =	sadd.s32 s3, s5;
	[dreg:$0x0] =	wrdreg $0x0  }
0xa8: {  	s5 =	sshll.u32 s28, $0x1;
	[dreg:$0x2] =	wrdreg s3  }
0xa9: {  	[dreg:$0x3] =	wrdreg s5  }
0xaa: {  	[dreg:$0x4] =	wrdreg $0xC0  }
0xab: {  	_ =	task [dreg:s7], $0x5FFFF  }
0xac: {  	[dreg:$0x1] =	wrdreg $0xFFFFFFFF  }
0xad: {  	[dreg:$0x0] =	wrdreg $0x60  }
0xae: {  	[dreg:$0x2] =	wrdreg s2  }
0xaf: {  	[dreg:$0x3] =	wrdreg s24  }
0xb0: {  	[dreg:$0x4] =	wrdreg $0x28800  }
0xb1: {  	[dreg:$0x5] =	wrdreg $0x9  }
0xb2: {  	_ =	task.clear_ibuf [dreg:s7], $0x6FFFF;
	_ =	strace $0x90000046  }
0xb3: {  	s29 =	simm.s32 $0x9;
	_ =	strace $0x80000048  }
0xb4: {  	_ =	swait.ge [sflag:s29], $0x1  }
0xb5: {  	[sflag:s29] =	ssyncadd.s32 $0xFFFFFFFF  }
0xb6: {  	_ =	strace $0x90000048  }
0xb7: {  	_ =	sfence  }
0xb8: {  	s30 =	sld [smem:$0x0];
	_ =	sdelay $0x2  }
0xb9: {  	s31 =	sshll.u32 s1, $0xD;
	s1 =	sshrl.u32 s1, $0x2  }
0xba: {  	s3 =	sand.u32 $0x4000, s31;
	s1 =	sadd.s32 s1, s30  }
0xbb: {  	s0 =	sor.u32 s3, s0;
	s1 =	sshll.u32 s1, $0x11  }
0xbc: {  	s0 =	sor.u32 s1, s0  }
0xbd: {  	s0 =	sadd.s32 $0x8F2B, s0  }
0xbe: {  	[sflag:s0] =	ssyncadd.remote.s32 $0x1  }
0xbf: {  	_ =	sfence.sel $0xFFFF  }
0xc0: {  	[dreg:$0x0] =	wrdreg $0xFFFFFFFF;
	(pc) =	sbr.abs _section_cstart, $3  }
0xc1: {  	[dreg:$0x1] =	wrdreg $0xFFFFFFFF  }
0xc2: {  	_ =	task.clear_ibuf [dreg:s7], $0x2FFFF;
	_ =	strace $0x9FFFFFFF  }
0xc3: {  	(tm) =	ssettm $0x7FFFFFFF  }
tec
execute0_lowered:
.L_overlay_start_1:
0x0: {  	(tag) =	ssettag $0x1  }
0x1: {  	s6 =	rddreg [dreg:$0x0]  }
0x2: {  	s5 =	rddreg [dreg:$0x1]  }
0x3: {  	s2 =	rddreg [dreg:$0x2]  }
0x4: {  	s0 =	rddreg [dreg:$0x3]  }
0x5: {  	s4 =	srdreg.scid;
	s1 =	stileid.u32;
	s3 =	simm.s32 $0x0  }
0x6: {  	s12 =	simm.s32 $0x2800;
	s13 =	simm.s32 $0x20;
	s14 =	simm.s32 $0x10  }
0x7: {  	s15 =	simm.s32 $0x0;
	s7 =	sand.u32 $0x1, s4;
	s28 =	smul.u32 $0x500, s1  }
0x8: {  	[smem:$0x7FF] =	sst s3;
	s4 =	sadd.s32 $0x3400, s5;
	s10 =	smul.u32 $0xA00, s1  }
0x9: {  	s31 =	sshll.u32 s1, $0x6;
	s8 =	sshll.u32 s7, $0x7;
	_ =	strace $0x80000047  }
0xa: {  	s9 =	sshll.u32 s7, $0x4;
	s7 =	ssub.s32 $0x2, s7;
	s8 =	sor.u32 s8, s28  }
0xb: {  	s9 =	sor.u32 s1, s9;
	s29 =	sshrl.u32 s7, $0x1;
	s30 =	sshrl.u32 s10, $0x2  }
0xc: {  	s8 =	sshrl.u32 s8, $0x3;
	s9 =	smul.u32 $0x500, s9;
	s11 =	ssub.s32 s7, s29  }
0xd: {  	s10 =	sadd.s32 s30, s2;
	s8 =	sadd.s32 s8, s5;
	s5 =	sor.u32 $0x1C01, s31  }
0xe: {  	s6 =	sadd.s32 s6, s9;
	s7 =	sadd.s32 $0x3600, s8;
	s8 =	smax.u32 s11, $0x1  }
0xf: {  	v0 =	vimm.f32 $1.000000000e+00;
	s9 =	sshrl.u32 s10, $0x3;
	s10 =	simm.s32 $0x1;
	s11 =	simm.s32 $0x80  }
.LBB2_1:
0x10: {  	[spmem:s9], [sflag:s5] =	dma.local [hbm:s4], $0x50  }
0x11: {  	_ =	swait.ge [sflag:s10], $0x50  }
0x12: {  	[sflag:s10] =	ssyncset.done $0x0  }
0x13: {  	[sflag:s10] =	ssyncadd.s32 $0xFFFFFFB0  }
0x14: {  	[tilespmem:s3], [sflag:$0x1] =	stream.linear.gather [hbm4b:s6+s3], $0x2780, $0x38;
	[tilespmem:$0x2B00] =	vst v63  }
0x15: {  	_ =	swait.ge [sflag:s10], $0x2780  }
0x16: {  	[sflag:s10] =	ssyncset.done $0x0  }
0x17: {  	[sflag:s10] =	ssyncadd.s32 $0xFFFFD880  }
0x18: {  	[tilespmem:$0x2800] =	vst v0  }
0x19: {  	[tilespmem:$0x2810] =	vst v0  }
0x1a: {  	[tilespmem:$0x2820] =	vst v0  }
0x1b: {  	[tilespmem:$0x2830] =	vst v0  }
0x1c: {  	[tilespmem:$0x2840] =	vst v0  }
0x1d: {  	[tilespmem:$0x2850] =	vst v0  }
0x1e: {  	[tilespmem:$0x2860] =	vst v0  }
0x1f: {  	[tilespmem:$0x2870] =	vst v0  }
0x20: {  	s16 =	simm.s32 $0x0;
	[bflag:$0x0] =	sbarrier.arrive $0xFFFF  }
0x21: {  	[spmem:s2] =	stream.indirect.scatter.add.f32 [tilespmem:s12], [sflag:$0x1], $0x1, s16, s11, $0xb8;
	[tilespmem:$0x2B00] =	vst v63  }
0x22: {  	_ =	swait.ge [sflag:s10], $0x80  }
0x23: {  	s16 =	simm.s32 $0x200;
	[sflag:s10] =	ssyncset.done $0x0  }
.LBB2_2:
0x24: {  	s17 =	sshra.s32 s16, $0x2;
	[sflag:s10] =	ssyncadd.s32 $0xFFFFFF80;
	p0 =	sne.s32 s16, $0x9C00  }
0x25: {  	[spmem:s2] =	stream.indirect.scatter.add.f32 [tilespmem:s12], [sflag:$0x1], $0x1, s17, s11, $0xb8;
	[tilespmem:$0x2B00] =	vst v63  }
.Ltmp0:
0x26: {  	_ = 	snop;
	(pc) =	sbr.rel @p0 .LBB2_2-.Ltmp0, $4  }
0x27: {  	_ = 	snop  }
0x28: {  	s16 =	sadd.s32 $0x200, s16  }
0x29: {  	_ =	swait.ge [sflag:s10], $0x80  }
0x2a: {  	[sflag:s10] =	ssyncset.done $0x0  }
0x2b: {  	s15 =	sadd.s32 $0x1, s15  }
0x2c: {  	[sflag:s10] =	ssyncadd.s32 $0xFFFFFF80;
	p0 =	sne.s32 s15, s8  }
.Ltmp1:
0x2d: {  	[bflag:$0x0] =	sbarrier.arrive $0xFFFF;
	(pc) =	sbr.rel @p0 .LBB2_1-.Ltmp1, $4  }
0x2e: {  	[hbm:s7@s13], [sflag:s5] =	dma.strided [spmem:s9@s14], $0x50, s10, $0x10   }
0x2f: {  	_ =	swait.ge [sflag:s10], $0x50  }
0x30: {  	[sflag:s10] =	ssyncset.done $0x0  }
0x31: {  	[sflag:s10] =	ssyncadd.s32 $0xFFFFFFB0  }
0x32: {  	_ =	sfence.sel $0x180000  }
0x33: {  	[bflag:$0x0] =	sbarrier.arrive $0xFFFF  }
0x34: {  	p0 =	sne.s32 s1, $0x0;
	_ =	strace $0x90000047  }
0x35: {  	s0 =	sadd.s32 @!p0 $0x100000, s0;
	[bflag:$0x2] =	sbarrier.arrive $0xFFFF  }
0x36: {  	[sflag:s0] =	ssyncadd.tile.s32 @!p0 $0x1;
	_ =	shalt  }
.Lfunc_end2:
_tile_overlayer_lowered:
.L_overlay_start_2:
0x37: {  	(tag) =	ssettag $0x2  }
0x38: {  	s0 =	rddreg [dreg:$0x0];
	s2 =	stileid.u32  }
0x39: {  	s1 =	rddreg [dreg:$0x1];
	p0 =	sne.s32 s2, $0x0  }
0x3a: {  	s3 =	rddreg [dreg:$0x2];
	[bflag:$0x3] =	sbarrier.arrive $0xFFFF;
	s2 =	simm.s32 @!p0 $0x1C01  }
0x3b: {  	[timem:s3], [sflag:s2] =	dma.local @!p0 [hbm:s0], s1  }
0x3c: {  	s0 =	simm.s32 @!p0 $0x1  }
0x3d: {  	_ =	swait.ge @!p0 [sflag:s0], s1  }
0x3e: {  	s1 =	ssub.s32 @!p0 $0x0, s1;
	[sflag:s0] =	ssyncset.done @!p0 $0x0  }
0x3f: {  	[sflag:s0] =	ssyncadd.s32 @!p0 s1  }
0x40: {  	[bflag:$0x3] =	sbarrier.arrive $0xFFFF  }
0x41: {  	_ =	shalt  }

</sc_bundles>
